<compile_context>
chip_gen: v7x
topology: tpu7x:2x2x1
jax: 0.10.2.dev20260603
libtpu: 0.0.44.dev20260713+nightly
codegen_flags: <defaults>
</compile_context>

<pallas_src>
import jax
import jax.numpy as jnp
from jax import lax
from jax.experimental import pallas as pl
from jax.experimental.pallas import tpu as pltpu
from jax.experimental.pallas import tpu_sc as plsc

B, C, H, W, K = 32, 4, 256, 256, 500
HW = H * W
LANES = 16
KPAD = 512
NKV = KPAD // LANES
NQ = 4
HH = H // NQ
NCHUNK = NQ * C
NBUF = 4
NQL = 2
NC, NS = 2, 16
LOSS_WEIGHT = 1.0


def _body(table, idxr, maskr, tgtr, outr,
          idx_v, mask_a, mask_b, mask_me, bufs, tgt_v, out_v,
          h_v, w_v, k_v, mf_v, tot_sm, sems):
    cid = lax.axis_index("c")
    sid = lax.axis_index("s")
    b = sid * NC + cid

    def chunk_src(i):
        return table.at[b, lax.shift_right_logical(i, NQL),
                        pl.ds(jnp.bitwise_and(i, NQ - 1) * HH, HH)]

    def chunk_slot(i):
        return jnp.bitwise_and(i, NBUF - 1)

    for i in range(NBUF - 1):
        pltpu.async_copy(chunk_src(jnp.int32(i)), bufs.at[i], sems.at[i])
    pltpu.sync_copy(idxr.at[b], idx_v)
    pltpu.sync_copy(tgtr.at[b], tgt_v)
    pltpu.sync_copy(maskr.at[sid * 2], mask_a)
    pltpu.sync_copy(maskr.at[sid * 2 + 1], mask_b)
    pltpu.sync_copy(maskr.at[b], mask_me)

    iota = lax.iota(jnp.int32, LANES)

    def msum(j, acc):
        kv = j * LANES + iota
        kvec = jnp.minimum(kv, K - 1)
        valid = kv < K
        ga = plsc.load_gather(mask_a, [kvec])
        gb = plsc.load_gather(mask_b, [kvec])
        zero = jnp.zeros((LANES,), jnp.int32)
        return acc + jnp.where(valid, ga + gb, zero)

    acc = lax.fori_loop(0, NKV, msum, jnp.zeros((LANES,), jnp.int32))
    part = jnp.sum(acc)

    @pl.when(sid == 0)
    def _():
        tot_sm[0] = 0

    plsc.subcore_barrier()
    plsc.fetch_and_add(tot_sm.at[0], part, subcore_id=0)
    plsc.subcore_barrier()
    total = plsc.fetch_and_add(tot_sm.at[0], 0, subcore_id=0)

    inv_v = LOSS_WEIGHT / (
        jnp.broadcast_to(total, (LANES,)).astype(jnp.float32) * C + 1e-4)

    def prep(v, carry):
        sl = pl.ds(v * LANES, LANES)
        kvec = jnp.minimum(v * LANES + iota, K - 1)
        iv = plsc.load_gather(idx_v, [kvec])
        me = plsc.load_gather(mask_me, [kvec])
        h_v[sl] = lax.shift_right_logical(iv, 8)
        w_v[sl] = jnp.bitwise_and(iv, 255)
        k_v[sl] = kvec
        mf_v[sl] = me.astype(jnp.float32) * inv_v
        return carry

    lax.fori_loop(0, NKV, prep, 0)

    def chunk(g, carry):
        slot = chunk_slot(g)
        pltpu.make_async_copy(chunk_src(g), bufs.at[slot],
                              sems.at[slot]).wait()
        nxt = g + NBUF - 1

        @pl.when(nxt < NCHUNK)
        def _():
            ns = chunk_slot(nxt)
            pltpu.async_copy(chunk_src(nxt), bufs.at[ns], sems.at[ns])

        cc = lax.shift_right_logical(g, NQL)
        lo = jnp.bitwise_and(g, NQ - 1) * HH
        slot_b = jnp.broadcast_to(slot, (LANES,))
        cc_b = jnp.broadcast_to(cc, (LANES,))

        def comp(v, carry2):
            sl = pl.ds(v * LANES, LANES)
            hl = h_v[sl] - lo
            sel = jnp.logical_and(hl >= 0, hl < HH)
            g_val = plsc.load_gather(
                bufs, [slot_b, jnp.bitwise_and(hl, HH - 1), w_v[sl]])
            kv = k_v[sl]
            tg = plsc.load_gather(tgt_v, [cc_b, kv])
            res = jnp.abs(g_val - tg) * mf_v[sl]
            plsc.store_scatter(out_v, [cc_b, kv], res, mask=sel)
            return carry2

        lax.fori_loop(0, NKV, comp, 0)
        return carry

    lax.fori_loop(0, NCHUNK, chunk, 0)

    pltpu.sync_copy(out_v, outr.at[b])


@jax.jit
def _gather_l1(table, idx, msk, tgt):
    return pl.kernel(
        _body,
        out_type=jax.ShapeDtypeStruct((B, C, K), jnp.float32),
        mesh=plsc.VectorSubcoreMesh(core_axis_name="c", subcore_axis_name="s"),
        compiler_params=pltpu.CompilerParams(needs_layout_passes=False),
        scratch_types=[
            pltpu.VMEM((K,), jnp.int32),
            pltpu.VMEM((K,), jnp.int32),
            pltpu.VMEM((K,), jnp.int32),
            pltpu.VMEM((K,), jnp.int32),
            pltpu.VMEM((NBUF, HH, W), jnp.float32),
            pltpu.VMEM((C, K), jnp.float32),
            pltpu.VMEM((C, K), jnp.float32),
            pltpu.VMEM((KPAD,), jnp.int32),
            pltpu.VMEM((KPAD,), jnp.int32),
            pltpu.VMEM((KPAD,), jnp.int32),
            pltpu.VMEM((KPAD,), jnp.float32),
            pltpu.SMEM((1,), jnp.int32),
            pltpu.SemaphoreType.DMA((NBUF,)),
        ],
    )(table, idx, msk, tgt)


def kernel(output, mask, index, target):
    idx = index.astype(jnp.int32)
    msk = mask.astype(jnp.int32)
    tgt = jnp.transpose(target, (0, 2, 1))
    out = _gather_l1(output, idx, msk, tgt)
    return jnp.transpose(out, (0, 2, 1))

# --- scband reference (transcript-rebuilt; emitter-appended) ---
"""Pipeline reference for scband-gather-l1-loss-53197464929203 (READ-ONLY COPY).

The authoritative reference and input builder live on the scoring server;
editing this copy changes nothing except your own understanding.
"""

import jax, jax.numpy as jnp
import numpy as np

LOSS_WEIGHT = 1.0


def setup_inputs(seed: int = 0) -> dict:
    key = jax.random.key(seed)
    k1, k2, k3, k4 = jax.random.split(key, 4)
    B, C, H, W, K = 32, 4, 256, 256, 500
    output = jax.random.normal(k1, (B, C, H, W), dtype=jnp.float32)
    mask = jax.random.randint(k2, (B, K), 0, 2).astype(jnp.int64)
    index = jax.random.randint(k3, (B, K), 0, H * W).astype(jnp.int64)
    target = jax.random.normal(k4, (B, K, C), dtype=jnp.float32)
    return {"output": output, "mask": mask, "index": index, "target": target}


def gather_feature(fmap, index):
    # use_transform=True path: [B, C, H, W] -> [B, H*W, C], then gather along dim=1
    B, C = fmap.shape[0], fmap.shape[1]
    HW = fmap.shape[2] * fmap.shape[3]
    fmap = fmap.reshape(B, C, HW).transpose(0, 2, 1)  # [B, HW, C]
    dim = fmap.shape[-1]
    idx = jnp.broadcast_to(index[:, :, None], (index.shape[0], index.shape[1], dim))
    return jnp.take_along_axis(fmap, idx, axis=1)  # [B, K, C]


def reference(output, mask, index, target):
    pred = gather_feature(output, index)
    m = jnp.broadcast_to(mask[:, :, None], pred.shape).astype(jnp.float32)
    pred = pred * m
    tgt = target * m
    # F.l1_loss(pred * mask, target * mask, reduction='none')
    loss = jnp.abs(pred * m - tgt * m)
    loss = loss / (m.sum() + 0.0001) * LOSS_WEIGHT
    return loss

if __name__ == "__main__":
    import jax
    _d = setup_inputs()
    print(jax.jit(kernel)(*tuple(_d.values())))

</pallas_src>

<mosaic_0001>
#map = affine_map<(d0, d1) -> (0, 0, 0, 0)>
#map1 = affine_map<(d0, d1) -> (0, 0)>
#map2 = affine_map<(d0, d1) -> (0, 0, 0)>
module attributes {stable_mosaic.version = 14 : i64} {
  func.func @_body(%arg0: i32, %arg1: i32, %arg2: memref<32x4x256x256xf32, #tpu.memory_space<hbm>>, %arg3: memref<32x500xi32, #tpu.memory_space<hbm>>, %arg4: memref<32x500xi32, #tpu.memory_space<hbm>>, %arg5: memref<32x4x500xf32, #tpu.memory_space<hbm>>, %arg6: memref<32x4x500xf32, #tpu.memory_space<hbm>>, %arg7: memref<500xi32, #tpu.memory_space<vmem>>, %arg8: memref<500xi32, #tpu.memory_space<vmem>>, %arg9: memref<500xi32, #tpu.memory_space<vmem>>, %arg10: memref<500xi32, #tpu.memory_space<vmem>>, %arg11: memref<4x64x256xf32, #tpu.memory_space<vmem>>, %arg12: memref<4x500xf32, #tpu.memory_space<vmem>>, %arg13: memref<4x500xf32, #tpu.memory_space<vmem>>, %arg14: memref<512xi32, #tpu.memory_space<vmem>>, %arg15: memref<512xi32, #tpu.memory_space<vmem>>, %arg16: memref<512xi32, #tpu.memory_space<vmem>>, %arg17: memref<512xf32, #tpu.memory_space<vmem>>, %arg18: memref<1xi32, #tpu.memory_space<smem>>, %arg19: memref<4x!tpu.dma_semaphore, #tpu.memory_space<semaphore_mem>>) attributes {dimension_semantics = [#tpu.dimension_semantics<core_parallel>, #tpu.dimension_semantics<subcore_parallel>], iteration_bounds = array<i64: 2, 16>, scalar_prefetch = 0 : i64, scratch_operands = 13 : i64, tpu.core_type = #tpu.core_type<sc_vector_subcore>, window_params = [{transform_indices = #map}, {transform_indices = #map1}, {transform_indices = #map1}, {transform_indices = #map2}, {transform_indices = #map2}]} {
    %mul3A = arith.constant 2 : i32
    %mul3A_0 = arith.muli %arg1, %mul3A : i32
    %add3A = arith.addi %mul3A_0, %arg0 : i32
    %shift_right_logical3A = arith.constant 0 : i32
    %shift_right_logical3A_1 = arith.constant 2 : i32
    %shift_right_logical3A_2 = arith.shrui %shift_right_logical3A, %shift_right_logical3A_1 : i32
    %and3A = arith.constant 0 : i32
    %and3A_3 = arith.constant 3 : i32
    %and3A_4 = arith.andi %and3A, %and3A_3 : i32
    %mul3A_5 = arith.constant 64 : i32
    %mul3A_6 = arith.muli %and3A_4, %mul3A_5 : i32
    %dma_start3A = arith.constant 0 : i32
    %dma_start3A_7 = arith.constant 0 : i32
    %dma_start3A_8 = arith.constant 0 : i32
    %dma_start3A_9 = arith.constant 0 : i32
    %dma_start3A_10 = tpu.memref_slice %arg11[%dma_start3A, %dma_start3A_8, %dma_start3A_9] : memref<4x64x256xf32, #tpu.memory_space<vmem>> -> memref<1x64x256xf32, #tpu.memory_space<vmem>>
    %dma_start3A_11 = tpu.memref_squeeze %dma_start3A_10 : memref<1x64x256xf32, #tpu.memory_space<vmem>> -> memref<64x256xf32, #tpu.memory_space<vmem>>
    %dma_start3A_12 = arith.constant 0 : i32
    %dma_start3A_13 = tpu.memref_slice %arg2[%add3A, %shift_right_logical3A_2, %mul3A_6, %dma_start3A_12] : memref<32x4x256x256xf32, #tpu.memory_space<hbm>> -> memref<1x1x64x256xf32, #tpu.memory_space<hbm>>
    %dma_start3A_14 = tpu.memref_squeeze %dma_start3A_13 : memref<1x1x64x256xf32, #tpu.memory_space<hbm>> -> memref<64x256xf32, #tpu.memory_space<hbm>>
    %dma_start3A_15 = tpu.memref_slice %arg19[%dma_start3A_7] : memref<4x!tpu.dma_semaphore, #tpu.memory_space<semaphore_mem>> -> memref<1x!tpu.dma_semaphore, #tpu.memory_space<semaphore_mem>>
    %dma_start3A_16 = tpu.memref_squeeze %dma_start3A_15 : memref<1x!tpu.dma_semaphore, #tpu.memory_space<semaphore_mem>> -> memref<!tpu.dma_semaphore, #tpu.memory_space<semaphore_mem>>
    %dma_start3A_17 = arith.constant 0 : i32
    %dma_start3A_18 = arith.constant 0 : i32
    %dma_start3A_19 = tpu.memref_slice %arg11[%dma_start3A, %dma_start3A_17, %dma_start3A_18] : memref<4x64x256xf32, #tpu.memory_space<vmem>> -> memref<1x64x256xf32, #tpu.memory_space<vmem>>
    %dma_start3A_20 = tpu.memref_squeeze %dma_start3A_19 : memref<1x64x256xf32, #tpu.memory_space<vmem>> -> memref<64x256xf32, #tpu.memory_space<vmem>>
    %dma_start3A_21 = arith.constant 0 : i32
    %dma_start3A_22 = tpu.memref_slice %arg2[%add3A, %shift_right_logical3A_2, %mul3A_6, %dma_start3A_21] : memref<32x4x256x256xf32, #tpu.memory_space<hbm>> -> memref<1x1x64x256xf32, #tpu.memory_space<hbm>>
    %dma_start3A_23 = tpu.memref_squeeze %dma_start3A_22 : memref<1x1x64x256xf32, #tpu.memory_space<hbm>> -> memref<64x256xf32, #tpu.memory_space<hbm>>
    tpu.enqueue_dma source(%dma_start3A_23 : memref<64x256xf32, #tpu.memory_space<hbm>>) target(%dma_start3A_20 : memref<64x256xf32, #tpu.memory_space<vmem>>) target_semaphore(%dma_start3A_16 : memref<!tpu.dma_semaphore, #tpu.memory_space<semaphore_mem>>)
    %shift_right_logical3A_24 = arith.constant 1 : i32
    %shift_right_logical3A_25 = arith.constant 2 : i32
    %shift_right_logical3A_26 = arith.shrui %shift_right_logical3A_24, %shift_right_logical3A_25 : i32
    %and3A_27 = arith.constant 1 : i32
    %and3A_28 = arith.constant 3 : i32
    %and3A_29 = arith.andi %and3A_27, %and3A_28 : i32
    %mul3A_30 = arith.constant 64 : i32
    %mul3A_31 = arith.muli %and3A_29, %mul3A_30 : i32
    %dma_start3A_32 = arith.constant 1 : i32
    %dma_start3A_33 = arith.constant 1 : i32
    %dma_start3A_34 = arith.constant 0 : i32
    %dma_start3A_35 = arith.constant 0 : i32
    %dma_start3A_36 = tpu.memref_slice %arg11[%dma_start3A_32, %dma_start3A_34, %dma_start3A_35] : memref<4x64x256xf32, #tpu.memory_space<vmem>> -> memref<1x64x256xf32, #tpu.memory_space<vmem>>
    %dma_start3A_37 = tpu.memref_squeeze %dma_start3A_36 : memref<1x64x256xf32, #tpu.memory_space<vmem>> -> memref<64x256xf32, #tpu.memory_space<vmem>>
    %dma_start3A_38 = arith.constant 0 : i32
    %dma_start3A_39 = tpu.memref_slice %arg2[%add3A, %shift_right_logical3A_26, %mul3A_31, %dma_start3A_38] : memref<32x4x256x256xf32, #tpu.memory_space<hbm>> -> memref<1x1x64x256xf32, #tpu.memory_space<hbm>>
    %dma_start3A_40 = tpu.memref_squeeze %dma_start3A_39 : memref<1x1x64x256xf32, #tpu.memory_space<hbm>> -> memref<64x256xf32, #tpu.memory_space<hbm>>
    %dma_start3A_41 = tpu.memref_slice %arg19[%dma_start3A_33] : memref<4x!tpu.dma_semaphore, #tpu.memory_space<semaphore_mem>> -> memref<1x!tpu.dma_semaphore, #tpu.memory_space<semaphore_mem>>
    %dma_start3A_42 = tpu.memref_squeeze %dma_start3A_41 : memref<1x!tpu.dma_semaphore, #tpu.memory_space<semaphore_mem>> -> memref<!tpu.dma_semaphore, #tpu.memory_space<semaphore_mem>>
    %dma_start3A_43 = arith.constant 0 : i32
    %dma_start3A_44 = arith.constant 0 : i32
    %dma_start3A_45 = tpu.memref_slice %arg11[%dma_start3A_32, %dma_start3A_43, %dma_start3A_44] : memref<4x64x256xf32, #tpu.memory_space<vmem>> -> memref<1x64x256xf32, #tpu.memory_space<vmem>>
    %dma_start3A_46 = tpu.memref_squeeze %dma_start3A_45 : memref<1x64x256xf32, #tpu.memory_space<vmem>> -> memref<64x256xf32, #tpu.memory_space<vmem>>
    %dma_start3A_47 = arith.constant 0 : i32
    %dma_start3A_48 = tpu.memref_slice %arg2[%add3A, %shift_right_logical3A_26, %mul3A_31, %dma_start3A_47] : memref<32x4x256x256xf32, #tpu.memory_space<hbm>> -> memref<1x1x64x256xf32, #tpu.memory_space<hbm>>
    %dma_start3A_49 = tpu.memref_squeeze %dma_start3A_48 : memref<1x1x64x256xf32, #tpu.memory_space<hbm>> -> memref<64x256xf32, #tpu.memory_space<hbm>>
    tpu.enqueue_dma source(%dma_start3A_49 : memref<64x256xf32, #tpu.memory_space<hbm>>) target(%dma_start3A_46 : memref<64x256xf32, #tpu.memory_space<vmem>>) target_semaphore(%dma_start3A_42 : memref<!tpu.dma_semaphore, #tpu.memory_space<semaphore_mem>>)
    %shift_right_logical3A_50 = arith.constant 2 : i32
    %shift_right_logical3A_51 = arith.constant 2 : i32
    %shift_right_logical3A_52 = arith.shrui %shift_right_logical3A_50, %shift_right_logical3A_51 : i32
    %and3A_53 = arith.constant 2 : i32
    %and3A_54 = arith.constant 3 : i32
    %and3A_55 = arith.andi %and3A_53, %and3A_54 : i32
    %mul3A_56 = arith.constant 64 : i32
    %mul3A_57 = arith.muli %and3A_55, %mul3A_56 : i32
    %dma_start3A_58 = arith.constant 2 : i32
    %dma_start3A_59 = arith.constant 2 : i32
    %dma_start3A_60 = arith.constant 0 : i32
    %dma_start3A_61 = arith.constant 0 : i32
    %dma_start3A_62 = tpu.memref_slice %arg11[%dma_start3A_58, %dma_start3A_60, %dma_start3A_61] : memref<4x64x256xf32, #tpu.memory_space<vmem>> -> memref<1x64x256xf32, #tpu.memory_space<vmem>>
    %dma_start3A_63 = tpu.memref_squeeze %dma_start3A_62 : memref<1x64x256xf32, #tpu.memory_space<vmem>> -> memref<64x256xf32, #tpu.memory_space<vmem>>
    %dma_start3A_64 = arith.constant 0 : i32
    %dma_start3A_65 = tpu.memref_slice %arg2[%add3A, %shift_right_logical3A_52, %mul3A_57, %dma_start3A_64] : memref<32x4x256x256xf32, #tpu.memory_space<hbm>> -> memref<1x1x64x256xf32, #tpu.memory_space<hbm>>
    %dma_start3A_66 = tpu.memref_squeeze %dma_start3A_65 : memref<1x1x64x256xf32, #tpu.memory_space<hbm>> -> memref<64x256xf32, #tpu.memory_space<hbm>>
    %dma_start3A_67 = tpu.memref_slice %arg19[%dma_start3A_59] : memref<4x!tpu.dma_semaphore, #tpu.memory_space<semaphore_mem>> -> memref<1x!tpu.dma_semaphore, #tpu.memory_space<semaphore_mem>>
    %dma_start3A_68 = tpu.memref_squeeze %dma_start3A_67 : memref<1x!tpu.dma_semaphore, #tpu.memory_space<semaphore_mem>> -> memref<!tpu.dma_semaphore, #tpu.memory_space<semaphore_mem>>
    %dma_start3A_69 = arith.constant 0 : i32
    %dma_start3A_70 = arith.constant 0 : i32
    %dma_start3A_71 = tpu.memref_slice %arg11[%dma_start3A_58, %dma_start3A_69, %dma_start3A_70] : memref<4x64x256xf32, #tpu.memory_space<vmem>> -> memref<1x64x256xf32, #tpu.memory_space<vmem>>
    %dma_start3A_72 = tpu.memref_squeeze %dma_start3A_71 : memref<1x64x256xf32, #tpu.memory_space<vmem>> -> memref<64x256xf32, #tpu.memory_space<vmem>>
    %dma_start3A_73 = arith.constant 0 : i32
    %dma_start3A_74 = tpu.memref_slice %arg2[%add3A, %shift_right_logical3A_52, %mul3A_57, %dma_start3A_73] : memref<32x4x256x256xf32, #tpu.memory_space<hbm>> -> memref<1x1x64x256xf32, #tpu.memory_space<hbm>>
    %dma_start3A_75 = tpu.memref_squeeze %dma_start3A_74 : memref<1x1x64x256xf32, #tpu.memory_space<hbm>> -> memref<64x256xf32, #tpu.memory_space<hbm>>
    tpu.enqueue_dma source(%dma_start3A_75 : memref<64x256xf32, #tpu.memory_space<hbm>>) target(%dma_start3A_72 : memref<64x256xf32, #tpu.memory_space<vmem>>) target_semaphore(%dma_start3A_68 : memref<!tpu.dma_semaphore, #tpu.memory_space<semaphore_mem>>)
    "tpu.region"() ({
      %run_scoped3A = tpu.sem_alloc : memref<!tpu.dma_semaphore, #tpu.memory_space<semaphore_mem>>
      %dma_start3A_122 = arith.constant 0 : i32
      %dma_start3A_123 = tpu.memref_slice %arg3[%add3A, %dma_start3A_122] : memref<32x500xi32, #tpu.memory_space<hbm>> -> memref<1x500xi32, #tpu.memory_space<hbm>>
      %dma_start3A_124 = tpu.memref_squeeze %dma_start3A_123 : memref<1x500xi32, #tpu.memory_space<hbm>> -> memref<500xi32, #tpu.memory_space<hbm>>
      %dma_start3A_125 = arith.constant 0 : i32
      %dma_start3A_126 = tpu.memref_slice %arg3[%add3A, %dma_start3A_125] : memref<32x500xi32, #tpu.memory_space<hbm>> -> memref<1x500xi32, #tpu.memory_space<hbm>>
      %dma_start3A_127 = tpu.memref_squeeze %dma_start3A_126 : memref<1x500xi32, #tpu.memory_space<hbm>> -> memref<500xi32, #tpu.memory_space<hbm>>
      tpu.enqueue_dma source(%dma_start3A_127 : memref<500xi32, #tpu.memory_space<hbm>>) target(%arg7 : memref<500xi32, #tpu.memory_space<vmem>>) target_semaphore(%run_scoped3A : memref<!tpu.dma_semaphore, #tpu.memory_space<semaphore_mem>>)
      %dma_wait3A = arith.constant 0 : i32
      %dma_wait3A_128 = tpu.memref_slice %arg3[%add3A, %dma_wait3A] : memref<32x500xi32, #tpu.memory_space<hbm>> -> memref<1x500xi32, #tpu.memory_space<hbm>>
      %dma_wait3A_129 = tpu.memref_squeeze %dma_wait3A_128 : memref<1x500xi32, #tpu.memory_space<hbm>> -> memref<500xi32, #tpu.memory_space<hbm>>
      %dma_wait3A_130 = arith.constant 0 : i32
      %dma_wait3A_131 = tpu.memref_slice %arg3[%add3A, %dma_wait3A_130] : memref<32x500xi32, #tpu.memory_space<hbm>> -> memref<1x500xi32, #tpu.memory_space<hbm>>
      %dma_wait3A_132 = tpu.memref_squeeze %dma_wait3A_131 : memref<1x500xi32, #tpu.memory_space<hbm>> -> memref<500xi32, #tpu.memory_space<hbm>>
      tpu.wait_dma2 semaphore(%run_scoped3A : memref<!tpu.dma_semaphore, #tpu.memory_space<semaphore_mem>>) src(%dma_wait3A_132 : memref<500xi32, #tpu.memory_space<hbm>>) dst(%arg7 : memref<500xi32, #tpu.memory_space<vmem>>)
      tpu.yield
    }) : () -> ()
    "tpu.region"() ({
      %run_scoped3A = tpu.sem_alloc : memref<!tpu.dma_semaphore, #tpu.memory_space<semaphore_mem>>
      %dma_start3A_122 = arith.constant 0 : i32
      %dma_start3A_123 = arith.constant 0 : i32
      %dma_start3A_124 = tpu.memref_slice %arg5[%add3A, %dma_start3A_122, %dma_start3A_123] : memref<32x4x500xf32, #tpu.memory_space<hbm>> -> memref<1x4x500xf32, #tpu.memory_space<hbm>>
      %dma_start3A_125 = tpu.memref_squeeze %dma_start3A_124 : memref<1x4x500xf32, #tpu.memory_space<hbm>> -> memref<4x500xf32, #tpu.memory_space<hbm>>
      %dma_start3A_126 = arith.constant 0 : i32
      %dma_start3A_127 = arith.constant 0 : i32
      %dma_start3A_128 = tpu.memref_slice %arg5[%add3A, %dma_start3A_126, %dma_start3A_127] : memref<32x4x500xf32, #tpu.memory_space<hbm>> -> memref<1x4x500xf32, #tpu.memory_space<hbm>>
      %dma_start3A_129 = tpu.memref_squeeze %dma_start3A_128 : memref<1x4x500xf32, #tpu.memory_space<hbm>> -> memref<4x500xf32, #tpu.memory_space<hbm>>
      tpu.enqueue_dma source(%dma_start3A_129 : memref<4x500xf32, #tpu.memory_space<hbm>>) target(%arg12 : memref<4x500xf32, #tpu.memory_space<vmem>>) target_semaphore(%run_scoped3A : memref<!tpu.dma_semaphore, #tpu.memory_space<semaphore_mem>>)
      %dma_wait3A = arith.constant 0 : i32
      %dma_wait3A_130 = arith.constant 0 : i32
      %dma_wait3A_131 = tpu.memref_slice %arg5[%add3A, %dma_wait3A, %dma_wait3A_130] : memref<32x4x500xf32, #tpu.memory_space<hbm>> -> memref<1x4x500xf32, #tpu.memory_space<hbm>>
      %dma_wait3A_132 = tpu.memref_squeeze %dma_wait3A_131 : memref<1x4x500xf32, #tpu.memory_space<hbm>> -> memref<4x500xf32, #tpu.memory_space<hbm>>
      %dma_wait3A_133 = arith.constant 0 : i32
      %dma_wait3A_134 = arith.constant 0 : i32
      %dma_wait3A_135 = tpu.memref_slice %arg5[%add3A, %dma_wait3A_133, %dma_wait3A_134] : memref<32x4x500xf32, #tpu.memory_space<hbm>> -> memref<1x4x500xf32, #tpu.memory_space<hbm>>
      %dma_wait3A_136 = tpu.memref_squeeze %dma_wait3A_135 : memref<1x4x500xf32, #tpu.memory_space<hbm>> -> memref<4x500xf32, #tpu.memory_space<hbm>>
      tpu.wait_dma2 semaphore(%run_scoped3A : memref<!tpu.dma_semaphore, #tpu.memory_space<semaphore_mem>>) src(%dma_wait3A_136 : memref<4x500xf32, #tpu.memory_space<hbm>>) dst(%arg12 : memref<4x500xf32, #tpu.memory_space<vmem>>)
      tpu.yield
    }) : () -> ()
    %mul3A_76 = arith.constant 2 : i32
    %mul3A_77 = arith.muli %arg1, %mul3A_76 : i32
    "tpu.region"() ({
      %run_scoped3A = tpu.sem_alloc : memref<!tpu.dma_semaphore, #tpu.memory_space<semaphore_mem>>
      %dma_start3A_122 = arith.constant 0 : i32
      %dma_start3A_123 = tpu.memref_slice %arg4[%mul3A_77, %dma_start3A_122] : memref<32x500xi32, #tpu.memory_space<hbm>> -> memref<1x500xi32, #tpu.memory_space<hbm>>
      %dma_start3A_124 = tpu.memref_squeeze %dma_start3A_123 : memref<1x500xi32, #tpu.memory_space<hbm>> -> memref<500xi32, #tpu.memory_space<hbm>>
      %dma_start3A_125 = arith.constant 0 : i32
      %dma_start3A_126 = tpu.memref_slice %arg4[%mul3A_77, %dma_start3A_125] : memref<32x500xi32, #tpu.memory_space<hbm>> -> memref<1x500xi32, #tpu.memory_space<hbm>>
      %dma_start3A_127 = tpu.memref_squeeze %dma_start3A_126 : memref<1x500xi32, #tpu.memory_space<hbm>> -> memref<500xi32, #tpu.memory_space<hbm>>
      tpu.enqueue_dma source(%dma_start3A_127 : memref<500xi32, #tpu.memory_space<hbm>>) target(%arg8 : memref<500xi32, #tpu.memory_space<vmem>>) target_semaphore(%run_scoped3A : memref<!tpu.dma_semaphore, #tpu.memory_space<semaphore_mem>>)
      %dma_wait3A = arith.constant 0 : i32
      %dma_wait3A_128 = tpu.memref_slice %arg4[%mul3A_77, %dma_wait3A] : memref<32x500xi32, #tpu.memory_space<hbm>> -> memref<1x500xi32, #tpu.memory_space<hbm>>
      %dma_wait3A_129 = tpu.memref_squeeze %dma_wait3A_128 : memref<1x500xi32, #tpu.memory_space<hbm>> -> memref<500xi32, #tpu.memory_space<hbm>>
      %dma_wait3A_130 = arith.constant 0 : i32
      %dma_wait3A_131 = tpu.memref_slice %arg4[%mul3A_77, %dma_wait3A_130] : memref<32x500xi32, #tpu.memory_space<hbm>> -> memref<1x500xi32, #tpu.memory_space<hbm>>
      %dma_wait3A_132 = tpu.memref_squeeze %dma_wait3A_131 : memref<1x500xi32, #tpu.memory_space<hbm>> -> memref<500xi32, #tpu.memory_space<hbm>>
      tpu.wait_dma2 semaphore(%run_scoped3A : memref<!tpu.dma_semaphore, #tpu.memory_space<semaphore_mem>>) src(%dma_wait3A_132 : memref<500xi32, #tpu.memory_space<hbm>>) dst(%arg8 : memref<500xi32, #tpu.memory_space<vmem>>)
      tpu.yield
    }) : () -> ()
    %mul3A_78 = arith.constant 2 : i32
    %mul3A_79 = arith.muli %arg1, %mul3A_78 : i32
    %add3A_80 = arith.constant 1 : i32
    %add3A_81 = arith.addi %mul3A_79, %add3A_80 : i32
    "tpu.region"() ({
      %run_scoped3A = tpu.sem_alloc : memref<!tpu.dma_semaphore, #tpu.memory_space<semaphore_mem>>
      %dma_start3A_122 = arith.constant 0 : i32
      %dma_start3A_123 = tpu.memref_slice %arg4[%add3A_81, %dma_start3A_122] : memref<32x500xi32, #tpu.memory_space<hbm>> -> memref<1x500xi32, #tpu.memory_space<hbm>>
      %dma_start3A_124 = tpu.memref_squeeze %dma_start3A_123 : memref<1x500xi32, #tpu.memory_space<hbm>> -> memref<500xi32, #tpu.memory_space<hbm>>
      %dma_start3A_125 = arith.constant 0 : i32
      %dma_start3A_126 = tpu.memref_slice %arg4[%add3A_81, %dma_start3A_125] : memref<32x500xi32, #tpu.memory_space<hbm>> -> memref<1x500xi32, #tpu.memory_space<hbm>>
      %dma_start3A_127 = tpu.memref_squeeze %dma_start3A_126 : memref<1x500xi32, #tpu.memory_space<hbm>> -> memref<500xi32, #tpu.memory_space<hbm>>
      tpu.enqueue_dma source(%dma_start3A_127 : memref<500xi32, #tpu.memory_space<hbm>>) target(%arg9 : memref<500xi32, #tpu.memory_space<vmem>>) target_semaphore(%run_scoped3A : memref<!tpu.dma_semaphore, #tpu.memory_space<semaphore_mem>>)
      %dma_wait3A = arith.constant 0 : i32
      %dma_wait3A_128 = tpu.memref_slice %arg4[%add3A_81, %dma_wait3A] : memref<32x500xi32, #tpu.memory_space<hbm>> -> memref<1x500xi32, #tpu.memory_space<hbm>>
      %dma_wait3A_129 = tpu.memref_squeeze %dma_wait3A_128 : memref<1x500xi32, #tpu.memory_space<hbm>> -> memref<500xi32, #tpu.memory_space<hbm>>
      %dma_wait3A_130 = arith.constant 0 : i32
      %dma_wait3A_131 = tpu.memref_slice %arg4[%add3A_81, %dma_wait3A_130] : memref<32x500xi32, #tpu.memory_space<hbm>> -> memref<1x500xi32, #tpu.memory_space<hbm>>
      %dma_wait3A_132 = tpu.memref_squeeze %dma_wait3A_131 : memref<1x500xi32, #tpu.memory_space<hbm>> -> memref<500xi32, #tpu.memory_space<hbm>>
      tpu.wait_dma2 semaphore(%run_scoped3A : memref<!tpu.dma_semaphore, #tpu.memory_space<semaphore_mem>>) src(%dma_wait3A_132 : memref<500xi32, #tpu.memory_space<hbm>>) dst(%arg9 : memref<500xi32, #tpu.memory_space<vmem>>)
      tpu.yield
    }) : () -> ()
    "tpu.region"() ({
      %run_scoped3A = tpu.sem_alloc : memref<!tpu.dma_semaphore, #tpu.memory_space<semaphore_mem>>
      %dma_start3A_122 = arith.constant 0 : i32
      %dma_start3A_123 = tpu.memref_slice %arg4[%add3A, %dma_start3A_122] : memref<32x500xi32, #tpu.memory_space<hbm>> -> memref<1x500xi32, #tpu.memory_space<hbm>>
      %dma_start3A_124 = tpu.memref_squeeze %dma_start3A_123 : memref<1x500xi32, #tpu.memory_space<hbm>> -> memref<500xi32, #tpu.memory_space<hbm>>
      %dma_start3A_125 = arith.constant 0 : i32
      %dma_start3A_126 = tpu.memref_slice %arg4[%add3A, %dma_start3A_125] : memref<32x500xi32, #tpu.memory_space<hbm>> -> memref<1x500xi32, #tpu.memory_space<hbm>>
      %dma_start3A_127 = tpu.memref_squeeze %dma_start3A_126 : memref<1x500xi32, #tpu.memory_space<hbm>> -> memref<500xi32, #tpu.memory_space<hbm>>
      tpu.enqueue_dma source(%dma_start3A_127 : memref<500xi32, #tpu.memory_space<hbm>>) target(%arg10 : memref<500xi32, #tpu.memory_space<vmem>>) target_semaphore(%run_scoped3A : memref<!tpu.dma_semaphore, #tpu.memory_space<semaphore_mem>>)
      %dma_wait3A = arith.constant 0 : i32
      %dma_wait3A_128 = tpu.memref_slice %arg4[%add3A, %dma_wait3A] : memref<32x500xi32, #tpu.memory_space<hbm>> -> memref<1x500xi32, #tpu.memory_space<hbm>>
      %dma_wait3A_129 = tpu.memref_squeeze %dma_wait3A_128 : memref<1x500xi32, #tpu.memory_space<hbm>> -> memref<500xi32, #tpu.memory_space<hbm>>
      %dma_wait3A_130 = arith.constant 0 : i32
      %dma_wait3A_131 = tpu.memref_slice %arg4[%add3A, %dma_wait3A_130] : memref<32x500xi32, #tpu.memory_space<hbm>> -> memref<1x500xi32, #tpu.memory_space<hbm>>
      %dma_wait3A_132 = tpu.memref_squeeze %dma_wait3A_131 : memref<1x500xi32, #tpu.memory_space<hbm>> -> memref<500xi32, #tpu.memory_space<hbm>>
      tpu.wait_dma2 semaphore(%run_scoped3A : memref<!tpu.dma_semaphore, #tpu.memory_space<semaphore_mem>>) src(%dma_wait3A_132 : memref<500xi32, #tpu.memory_space<hbm>>) dst(%arg10 : memref<500xi32, #tpu.memory_space<vmem>>)
      tpu.yield
    }) : () -> ()
    %iota3A = tpu.iota {dimensions = array<i32: 0>} : vector<16xi32>
    %broadcast_in_dim3A = arith.constant 0 : i32
    %broadcast_in_dim3A_82 = vector.broadcast %broadcast_in_dim3A : i32 to vector<16xi32>
    %scan3A = arith.constant 0 : i32
    %scan3A_83 = arith.constant 32 : i32
    %scan3A_84 = arith.addi %scan3A, %scan3A_83 : i32
    %scan3A_85 = arith.constant 1 : i32
    %scan3A_86 = scf.for %scan3A_122 = %scan3A to %scan3A_84 step %scan3A_85 iter_args(%scan3A_123 = %broadcast_in_dim3A_82) -> (vector<16xi32>)  : i32 {
      %mul3A_124 = arith.constant 16 : i32
      %mul3A_125 = arith.muli %scan3A_122, %mul3A_124 : i32
      %add3A_126 = vector.broadcast %mul3A_125 : i32 to vector<16xi32>
      %add3A_127 = arith.addi %add3A_126, %iota3A : vector<16xi32>
      %min3A = arith.constant 499 : i32
      %min3A_128 = vector.broadcast %min3A : i32 to vector<16xi32>
      %min3A_129 = arith.minsi %add3A_127, %min3A_128 : vector<16xi32>
      %lt3A = arith.constant 500 : i32
      %lt3A_130 = vector.broadcast %lt3A : i32 to vector<16xi32>
      %lt3A_131 = arith.cmpi slt, %add3A_127, %lt3A_130 : vector<16xi32>
      %gather3A = tpu.vector_load_idx %arg8[%min3A_129] : memref<500xi32, #tpu.memory_space<vmem>>[vector<16xi32>], vector<16xi32>,
      %gather3A_132 = tpu.vector_load_idx %arg9[%min3A_129] : memref<500xi32, #tpu.memory_space<vmem>>[vector<16xi32>], vector<16xi32>,
      %broadcast_in_dim3A_133 = arith.constant 0 : i32
      %broadcast_in_dim3A_134 = vector.broadcast %broadcast_in_dim3A_133 : i32 to vector<16xi32>
      %add3A_135 = arith.addi %gather3A, %gather3A_132 : vector<16xi32>
      %select_n3A = arith.select %lt3A_131, %add3A_135, %broadcast_in_dim3A_134 : vector<16xi1>, vector<16xi32>
      %add3A_136 = arith.addi %scan3A_123, %select_n3A : vector<16xi32>
      scf.yield %add3A_136 : vector<16xi32>
    }
    %scan3A_87 = arith.constant 32 : i32
    %reduce_sum3A = arith.constant true
    %reduce_sum3A_88 = vector.broadcast %reduce_sum3A : i1 to vector<16xi1>
    %reduce_sum3A_89 = tpu.scan <sum>, %scan3A_86 masked %reduce_sum3A_88 : vector<16xi32>, vector<16xi1> -> vector<16xi32>
    %reduce_sum3A_90 = vector.extract %reduce_sum3A_89[15] : i32 from vector<16xi32>
    %eq3A = arith.constant 0 : i32
    %eq3A_91 = arith.cmpi eq, %arg1, %eq3A : i32
    %convert_element_type3A = arith.extui %eq3A_91 : i1 to i32
    %cond3A = arith.constant 0 : i32
    %cond3A_92 = arith.cmpi ne, %convert_element_type3A, %cond3A : i32
    scf.if %cond3A_92 {
      %swap3A = arith.constant 0 : i32
      %swap3A_122 = arith.constant 0 : i32
      %swap3A_123 = arith.index_cast %swap3A_122 : i32 to index
      %swap3A_124 = memref.load %arg18[%swap3A_123] : memref<1xi32, #tpu.memory_space<smem>>
      memref.store %swap3A, %arg18[%swap3A_123] : memref<1xi32, #tpu.memory_space<smem>>
    } else {
    }
    %barrier3A = arith.constant 0 : index
    tpu.barrier barrier_id(%barrier3A)
    %sc_fetch_and_add3A = arith.constant 0 : i32
    %sc_fetch_and_add3A_93 = arith.constant 0 : i32
    %sc_fetch_and_add3A_94 = tpu.fetch_and_add_sync %arg18[%sc_fetch_and_add3A], %reduce_sum3A_90, %sc_fetch_and_add3A_93 : memref<1xi32, #tpu.memory_space<smem>>, i32 -> i32
    %barrier3A_95 = arith.constant 0 : index
    tpu.barrier barrier_id(%barrier3A_95)
    %sc_fetch_and_add3A_96 = arith.constant 0 : i32
    %sc_fetch_and_add3A_97 = arith.constant 0 : i32
    %sc_fetch_and_add3A_98 = arith.constant 0 : i32
    %sc_fetch_and_add3A_99 = tpu.fetch_and_add_sync %arg18[%sc_fetch_and_add3A_97], %sc_fetch_and_add3A_96, %sc_fetch_and_add3A_98 : memref<1xi32, #tpu.memory_space<smem>>, i32 -> i32
    %broadcast_in_dim3A_100 = vector.broadcast %sc_fetch_and_add3A_99 : i32 to vector<16xi32>
    %convert_element_type3A_101 = arith.sitofp %broadcast_in_dim3A_100 : vector<16xi32> to vector<16xf32>
    %mul3A_102 = arith.constant 4.000000e+00 : f32
    %mul3A_103 = vector.broadcast %mul3A_102 : f32 to vector<16xf32>
    %mul3A_104 = arith.mulf %convert_element_type3A_101, %mul3A_103 : vector<16xf32>
    %add3A_105 = arith.constant 9.99999974E-5 : f32
    %add3A_106 = vector.broadcast %add3A_105 : f32 to vector<16xf32>
    %add3A_107 = arith.addf %mul3A_104, %add3A_106 : vector<16xf32>
    %div3A = arith.constant 1.000000e+00 : f32
    %div3A_108 = vector.broadcast %div3A : f32 to vector<16xf32>
    %div3A_109 = arith.divf %div3A_108, %add3A_107 : vector<16xf32>
    %scan3A_110 = arith.constant 0 : i32
    %scan3A_111 = arith.constant 0 : i32
    %scan3A_112 = arith.constant 32 : i32
    %scan3A_113 = arith.addi %scan3A_111, %scan3A_112 : i32
    %scan3A_114 = arith.constant 1 : i32
    scf.for %scan3A_122 = %scan3A_111 to %scan3A_113 step %scan3A_114  : i32 {
      %mul3A_123 = arith.constant 16 : i32
      %mul3A_124 = arith.muli %scan3A_122, %mul3A_123 : i32
      %mul3A_125 = arith.constant 16 : i32
      %mul3A_126 = arith.muli %scan3A_122, %mul3A_125 : i32
      %add3A_127 = vector.broadcast %mul3A_126 : i32 to vector<16xi32>
      %add3A_128 = arith.addi %add3A_127, %iota3A : vector<16xi32>
      %min3A = arith.constant 499 : i32
      %min3A_129 = vector.broadcast %min3A : i32 to vector<16xi32>
      %min3A_130 = arith.minsi %add3A_128, %min3A_129 : vector<16xi32>
      %gather3A = tpu.vector_load_idx %arg7[%min3A_130] : memref<500xi32, #tpu.memory_space<vmem>>[vector<16xi32>], vector<16xi32>,
      %gather3A_131 = tpu.vector_load_idx %arg10[%min3A_130] : memref<500xi32, #tpu.memory_space<vmem>>[vector<16xi32>], vector<16xi32>,
      %shift_right_logical3A_132 = arith.constant 8 : i32
      %shift_right_logical3A_133 = vector.broadcast %shift_right_logical3A_132 : i32 to vector<16xi32>
      %shift_right_logical3A_134 = arith.shrui %gather3A, %shift_right_logical3A_133 : vector<16xi32>
      %swap3A = arith.index_cast %mul3A_124 : i32 to index
      %swap3A_135 = tpu.vector_load %arg14[%swap3A] {strides = array<i32>} : memref<512xi32, #tpu.memory_space<vmem>>, vector<16xi32>,
      tpu.vector_store %arg14[%swap3A], %shift_right_logical3A_134 {strides = array<i32>} : memref<512xi32, #tpu.memory_space<vmem>>, vector<16xi32>,
      %and3A_136 = arith.constant 255 : i32
      %and3A_137 = vector.broadcast %and3A_136 : i32 to vector<16xi32>
      %and3A_138 = arith.andi %gather3A, %and3A_137 : vector<16xi32>
      %swap3A_139 = arith.index_cast %mul3A_124 : i32 to index
      %swap3A_140 = tpu.vector_load %arg15[%swap3A_139] {strides = array<i32>} : memref<512xi32, #tpu.memory_space<vmem>>, vector<16xi32>,
      tpu.vector_store %arg15[%swap3A_139], %and3A_138 {strides = array<i32>} : memref<512xi32, #tpu.memory_space<vmem>>, vector<16xi32>,
      %swap3A_141 = arith.index_cast %mul3A_124 : i32 to index
      %swap3A_142 = tpu.vector_load %arg16[%swap3A_141] {strides = array<i32>} : memref<512xi32, #tpu.memory_space<vmem>>, vector<16xi32>,
      tpu.vector_store %arg16[%swap3A_141], %min3A_130 {strides = array<i32>} : memref<512xi32, #tpu.memory_space<vmem>>, vector<16xi32>,
      %convert_element_type3A_143 = arith.sitofp %gather3A_131 : vector<16xi32> to vector<16xf32>
      %mul3A_144 = arith.mulf %convert_element_type3A_143, %div3A_109 : vector<16xf32>
      %swap3A_145 = arith.index_cast %mul3A_124 : i32 to index
      %swap3A_146 = tpu.vector_load %arg17[%swap3A_145] {strides = array<i32>} : memref<512xf32, #tpu.memory_space<vmem>>, vector<16xf32>,
      tpu.vector_store %arg17[%swap3A_145], %mul3A_144 {strides = array<i32>} : memref<512xf32, #tpu.memory_space<vmem>>, vector<16xf32>,
    }
    %scan3A_115 = arith.constant 32 : i32
    %scan3A_116 = arith.constant 0 : i32
    %scan3A_117 = arith.constant 0 : i32
    %scan3A_118 = arith.constant 16 : i32
    %scan3A_119 = arith.addi %scan3A_117, %scan3A_118 : i32
    %scan3A_120 = arith.constant 1 : i32
    scf.for %scan3A_122 = %scan3A_117 to %scan3A_119 step %scan3A_120  : i32 {
      %and3A_123 = arith.constant 3 : i32
      %and3A_124 = arith.andi %scan3A_122, %and3A_123 : i32
      %shift_right_logical3A_125 = arith.constant 2 : i32
      %shift_right_logical3A_126 = arith.shrui %scan3A_122, %shift_right_logical3A_125 : i32
      %and3A_127 = arith.constant 3 : i32
      %and3A_128 = arith.andi %scan3A_122, %and3A_127 : i32
      %mul3A_129 = arith.constant 64 : i32
      %mul3A_130 = arith.muli %and3A_128, %mul3A_129 : i32
      %dma_wait3A = arith.constant 0 : i32
      %dma_wait3A_131 = arith.constant 0 : i32
      %dma_wait3A_132 = tpu.memref_slice %arg11[%and3A_124, %dma_wait3A, %dma_wait3A_131] : memref<4x64x256xf32, #tpu.memory_space<vmem>> -> memref<1x64x256xf32, #tpu.memory_space<vmem>>
      %dma_wait3A_133 = tpu.memref_squeeze %dma_wait3A_132 : memref<1x64x256xf32, #tpu.memory_space<vmem>> -> memref<64x256xf32, #tpu.memory_space<vmem>>
      %dma_wait3A_134 = arith.constant 0 : i32
      %dma_wait3A_135 = tpu.memref_slice %arg2[%add3A, %shift_right_logical3A_126, %mul3A_130, %dma_wait3A_134] : memref<32x4x256x256xf32, #tpu.memory_space<hbm>> -> memref<1x1x64x256xf32, #tpu.memory_space<hbm>>
      %dma_wait3A_136 = tpu.memref_squeeze %dma_wait3A_135 : memref<1x1x64x256xf32, #tpu.memory_space<hbm>> -> memref<64x256xf32, #tpu.memory_space<hbm>>
      %dma_wait3A_137 = tpu.memref_slice %arg19[%and3A_124] : memref<4x!tpu.dma_semaphore, #tpu.memory_space<semaphore_mem>> -> memref<1x!tpu.dma_semaphore, #tpu.memory_space<semaphore_mem>>
      %dma_wait3A_138 = tpu.memref_squeeze %dma_wait3A_137 : memref<1x!tpu.dma_semaphore, #tpu.memory_space<semaphore_mem>> -> memref<!tpu.dma_semaphore, #tpu.memory_space<semaphore_mem>>
      %dma_wait3A_139 = arith.constant 0 : i32
      %dma_wait3A_140 = arith.constant 0 : i32
      %dma_wait3A_141 = tpu.memref_slice %arg11[%and3A_124, %dma_wait3A_139, %dma_wait3A_140] : memref<4x64x256xf32, #tpu.memory_space<vmem>> -> memref<1x64x256xf32, #tpu.memory_space<vmem>>
      %dma_wait3A_142 = tpu.memref_squeeze %dma_wait3A_141 : memref<1x64x256xf32, #tpu.memory_space<vmem>> -> memref<64x256xf32, #tpu.memory_space<vmem>>
      %dma_wait3A_143 = arith.constant 0 : i32
      %dma_wait3A_144 = tpu.memref_slice %arg2[%add3A, %shift_right_logical3A_126, %mul3A_130, %dma_wait3A_143] : memref<32x4x256x256xf32, #tpu.memory_space<hbm>> -> memref<1x1x64x256xf32, #tpu.memory_space<hbm>>
      %dma_wait3A_145 = tpu.memref_squeeze %dma_wait3A_144 : memref<1x1x64x256xf32, #tpu.memory_space<hbm>> -> memref<64x256xf32, #tpu.memory_space<hbm>>
      tpu.wait_dma2 semaphore(%dma_wait3A_138 : memref<!tpu.dma_semaphore, #tpu.memory_space<semaphore_mem>>) src(%dma_wait3A_145 : memref<64x256xf32, #tpu.memory_space<hbm>>) dst(%dma_wait3A_142 : memref<64x256xf32, #tpu.memory_space<vmem>>)
      %add3A_146 = arith.constant 4 : i32
      %add3A_147 = arith.addi %scan3A_122, %add3A_146 : i32
      %sub3A = arith.constant 1 : i32
      %sub3A_148 = arith.subi %add3A_147, %sub3A : i32
      %lt3A = arith.constant 16 : i32
      %lt3A_149 = arith.cmpi slt, %sub3A_148, %lt3A : i32
      %convert_element_type3A_150 = arith.extui %lt3A_149 : i1 to i32
      %cond3A_151 = arith.constant 0 : i32
      %cond3A_152 = arith.cmpi ne, %convert_element_type3A_150, %cond3A_151 : i32
      scf.if %cond3A_152 {
        %and3A_167 = arith.constant 3 : i32
        %and3A_168 = arith.andi %sub3A_148, %and3A_167 : i32
        %shift_right_logical3A_169 = arith.constant 2 : i32
        %shift_right_logical3A_170 = arith.shrui %sub3A_148, %shift_right_logical3A_169 : i32
        %and3A_171 = arith.constant 3 : i32
        %and3A_172 = arith.andi %sub3A_148, %and3A_171 : i32
        %mul3A_173 = arith.constant 64 : i32
        %mul3A_174 = arith.muli %and3A_172, %mul3A_173 : i32
        %dma_start3A_175 = arith.constant 0 : i32
        %dma_start3A_176 = arith.constant 0 : i32
        %dma_start3A_177 = tpu.memref_slice %arg11[%and3A_168, %dma_start3A_175, %dma_start3A_176] : memref<4x64x256xf32, #tpu.memory_space<vmem>> -> memref<1x64x256xf32, #tpu.memory_space<vmem>>
        %dma_start3A_178 = tpu.memref_squeeze %dma_start3A_177 : memref<1x64x256xf32, #tpu.memory_space<vmem>> -> memref<64x256xf32, #tpu.memory_space<vmem>>
        %dma_start3A_179 = arith.constant 0 : i32
        %dma_start3A_180 = tpu.memref_slice %arg2[%add3A, %shift_right_logical3A_170, %mul3A_174, %dma_start3A_179] : memref<32x4x256x256xf32, #tpu.memory_space<hbm>> -> memref<1x1x64x256xf32, #tpu.memory_space<hbm>>
        %dma_start3A_181 = tpu.memref_squeeze %dma_start3A_180 : memref<1x1x64x256xf32, #tpu.memory_space<hbm>> -> memref<64x256xf32, #tpu.memory_space<hbm>>
        %dma_start3A_182 = tpu.memref_slice %arg19[%and3A_168] : memref<4x!tpu.dma_semaphore, #tpu.memory_space<semaphore_mem>> -> memref<1x!tpu.dma_semaphore, #tpu.memory_space<semaphore_mem>>
        %dma_start3A_183 = tpu.memref_squeeze %dma_start3A_182 : memref<1x!tpu.dma_semaphore, #tpu.memory_space<semaphore_mem>> -> memref<!tpu.dma_semaphore, #tpu.memory_space<semaphore_mem>>
        %dma_start3A_184 = arith.constant 0 : i32
        %dma_start3A_185 = arith.constant 0 : i32
        %dma_start3A_186 = tpu.memref_slice %arg11[%and3A_168, %dma_start3A_184, %dma_start3A_185] : memref<4x64x256xf32, #tpu.memory_space<vmem>> -> memref<1x64x256xf32, #tpu.memory_space<vmem>>
        %dma_start3A_187 = tpu.memref_squeeze %dma_start3A_186 : memref<1x64x256xf32, #tpu.memory_space<vmem>> -> memref<64x256xf32, #tpu.memory_space<vmem>>
        %dma_start3A_188 = arith.constant 0 : i32
        %dma_start3A_189 = tpu.memref_slice %arg2[%add3A, %shift_right_logical3A_170, %mul3A_174, %dma_start3A_188] : memref<32x4x256x256xf32, #tpu.memory_space<hbm>> -> memref<1x1x64x256xf32, #tpu.memory_space<hbm>>
        %dma_start3A_190 = tpu.memref_squeeze %dma_start3A_189 : memref<1x1x64x256xf32, #tpu.memory_space<hbm>> -> memref<64x256xf32, #tpu.memory_space<hbm>>
        tpu.enqueue_dma source(%dma_start3A_190 : memref<64x256xf32, #tpu.memory_space<hbm>>) target(%dma_start3A_187 : memref<64x256xf32, #tpu.memory_space<vmem>>) target_semaphore(%dma_start3A_183 : memref<!tpu.dma_semaphore, #tpu.memory_space<semaphore_mem>>)
      } else {
      }
      %shift_right_logical3A_153 = arith.constant 2 : i32
      %shift_right_logical3A_154 = arith.shrui %scan3A_122, %shift_right_logical3A_153 : i32
      %and3A_155 = arith.constant 3 : i32
      %and3A_156 = arith.andi %scan3A_122, %and3A_155 : i32
      %mul3A_157 = arith.constant 64 : i32
      %mul3A_158 = arith.muli %and3A_156, %mul3A_157 : i32
      %broadcast_in_dim3A_159 = vector.broadcast %and3A_124 : i32 to vector<16xi32>
      %broadcast_in_dim3A_160 = vector.broadcast %shift_right_logical3A_154 : i32 to vector<16xi32>
      %scan3A_161 = arith.constant 0 : i32
      %scan3A_162 = arith.constant 0 : i32
      %scan3A_163 = arith.constant 32 : i32
      %scan3A_164 = arith.addi %scan3A_162, %scan3A_163 : i32
      %scan3A_165 = arith.constant 1 : i32
      scf.for %scan3A_167 = %scan3A_162 to %scan3A_164 step %scan3A_165  : i32 {
        %mul3A_168 = arith.constant 16 : i32
        %mul3A_169 = arith.muli %scan3A_167, %mul3A_168 : i32
        %get3A = arith.index_cast %mul3A_169 : i32 to index
        %get3A_170 = tpu.vector_load %arg14[%get3A] {strides = array<i32>} : memref<512xi32, #tpu.memory_space<vmem>>, vector<16xi32>,
        %sub3A_171 = vector.broadcast %mul3A_158 : i32 to vector<16xi32>
        %sub3A_172 = arith.subi %get3A_170, %sub3A_171 : vector<16xi32>
        %ge3A = arith.constant 0 : i32
        %ge3A_173 = vector.broadcast %ge3A : i32 to vector<16xi32>
        %ge3A_174 = arith.cmpi sge, %sub3A_172, %ge3A_173 : vector<16xi32>
        %lt3A_175 = arith.constant 64 : i32
        %lt3A_176 = vector.broadcast %lt3A_175 : i32 to vector<16xi32>
        %lt3A_177 = arith.cmpi slt, %sub3A_172, %lt3A_176 : vector<16xi32>
        %and3A_178 = arith.andi %ge3A_174, %lt3A_177 : vector<16xi1>
        %and3A_179 = arith.constant 63 : i32
        %and3A_180 = vector.broadcast %and3A_179 : i32 to vector<16xi32>
        %and3A_181 = arith.andi %sub3A_172, %and3A_180 : vector<16xi32>
        %get3A_182 = arith.index_cast %mul3A_169 : i32 to index
        %get3A_183 = tpu.vector_load %arg15[%get3A_182] {strides = array<i32>} : memref<512xi32, #tpu.memory_space<vmem>>, vector<16xi32>,
        %gather3A = tpu.vector_load_idx %arg11[%broadcast_in_dim3A_159, %and3A_181, %get3A_183] : memref<4x64x256xf32, #tpu.memory_space<vmem>>[vector<16xi32>, vector<16xi32>, vector<16xi32>], vector<16xf32>,
        %get3A_184 = arith.index_cast %mul3A_169 : i32 to index
        %get3A_185 = tpu.vector_load %arg16[%get3A_184] {strides = array<i32>} : memref<512xi32, #tpu.memory_space<vmem>>, vector<16xi32>,
        %gather3A_186 = tpu.vector_load_idx %arg12[%broadcast_in_dim3A_160, %get3A_185] : memref<4x500xf32, #tpu.memory_space<vmem>>[vector<16xi32>, vector<16xi32>], vector<16xf32>,
        %sub3A_187 = arith.subf %gather3A, %gather3A_186 : vector<16xf32>
        %abs3A = math.absf %sub3A_187 : vector<16xf32>
        %get3A_188 = arith.index_cast %mul3A_169 : i32 to index
        %get3A_189 = tpu.vector_load %arg17[%get3A_188] {strides = array<i32>} : memref<512xf32, #tpu.memory_space<vmem>>, vector<16xf32>,
        %mul3A_190 = arith.mulf %abs3A, %get3A_189 : vector<16xf32>
        tpu.vector_store_idx %arg13[%broadcast_in_dim3A_160, %get3A_185], %mul3A_190 masked %and3A_178 : memref<4x500xf32, #tpu.memory_space<vmem>>[vector<16xi32>, vector<16xi32>], vector<16xf32>, vector<16xi1>
      }
      %scan3A_166 = arith.constant 32 : i32
    }
    %scan3A_121 = arith.constant 16 : i32
    "tpu.region"() ({
      %run_scoped3A = tpu.sem_alloc : memref<!tpu.dma_semaphore, #tpu.memory_space<semaphore_mem>>
      %dma_start3A_122 = arith.constant 0 : i32
      %dma_start3A_123 = arith.constant 0 : i32
      %dma_start3A_124 = tpu.memref_slice %arg6[%add3A, %dma_start3A_122, %dma_start3A_123] : memref<32x4x500xf32, #tpu.memory_space<hbm>> -> memref<1x4x500xf32, #tpu.memory_space<hbm>>
      %dma_start3A_125 = tpu.memref_squeeze %dma_start3A_124 : memref<1x4x500xf32, #tpu.memory_space<hbm>> -> memref<4x500xf32, #tpu.memory_space<hbm>>
      %dma_start3A_126 = arith.constant 0 : i32
      %dma_start3A_127 = arith.constant 0 : i32
      %dma_start3A_128 = tpu.memref_slice %arg6[%add3A, %dma_start3A_126, %dma_start3A_127] : memref<32x4x500xf32, #tpu.memory_space<hbm>> -> memref<1x4x500xf32, #tpu.memory_space<hbm>>
      %dma_start3A_129 = tpu.memref_squeeze %dma_start3A_128 : memref<1x4x500xf32, #tpu.memory_space<hbm>> -> memref<4x500xf32, #tpu.memory_space<hbm>>
      tpu.enqueue_dma source(%arg13 : memref<4x500xf32, #tpu.memory_space<vmem>>) target(%dma_start3A_129 : memref<4x500xf32, #tpu.memory_space<hbm>>) target_semaphore(%run_scoped3A : memref<!tpu.dma_semaphore, #tpu.memory_space<semaphore_mem>>)
      %dma_wait3A = arith.constant 0 : i32
      %dma_wait3A_130 = arith.constant 0 : i32
      %dma_wait3A_131 = tpu.memref_slice %arg6[%add3A, %dma_wait3A, %dma_wait3A_130] : memref<32x4x500xf32, #tpu.memory_space<hbm>> -> memref<1x4x500xf32, #tpu.memory_space<hbm>>
      %dma_wait3A_132 = tpu.memref_squeeze %dma_wait3A_131 : memref<1x4x500xf32, #tpu.memory_space<hbm>> -> memref<4x500xf32, #tpu.memory_space<hbm>>
      %dma_wait3A_133 = arith.constant 0 : i32
      %dma_wait3A_134 = arith.constant 0 : i32
      %dma_wait3A_135 = tpu.memref_slice %arg6[%add3A, %dma_wait3A_133, %dma_wait3A_134] : memref<32x4x500xf32, #tpu.memory_space<hbm>> -> memref<1x4x500xf32, #tpu.memory_space<hbm>>
      %dma_wait3A_136 = tpu.memref_squeeze %dma_wait3A_135 : memref<1x4x500xf32, #tpu.memory_space<hbm>> -> memref<4x500xf32, #tpu.memory_space<hbm>>
      tpu.wait_dma2 semaphore(%run_scoped3A : memref<!tpu.dma_semaphore, #tpu.memory_space<semaphore_mem>>) src(%arg13 : memref<4x500xf32, #tpu.memory_space<vmem>>) dst(%dma_wait3A_136 : memref<4x500xf32, #tpu.memory_space<hbm>>)
      tpu.yield
    }) : () -> ()
    return
  }
}

</mosaic_0001>

<sc_bundles>
// kernel: _gather_l1.3.cloned.1.call-start
scs
__scs_entry_jumppad:
0x0: {  	(pc) =	sbr.rel $0x88, $3  }
0x1: {  	(tag) =	ssettag $0x0;
	lr =	simm.s32 $0x1  }
0x2: {  	[smem:$0x3F9D] =	sst lr;
	_ =	strace $0xD0000000  }
0x3: {  	_ = 	snop  }
0x4: {  	_ = 	snop  }
0x5: {  	_ = 	snop  }
0x6: {  	_ = 	snop  }
0x7: {  	_ = 	snop  }
__scs_overlays_trampoline_lowered:
0x8: {  	[smem:$0x3FAC] =	sst s0  }
0x9: {  	[smem:$0x3FAD] =	sst s1  }
0xa: {  	[smem:$0x3FAE] =	sst s2  }
0xb: {  	[smem:$0x3FAF] =	sst s3  }
0xc: {  	[smem:$0x3FB0] =	sst s4  }
0xd: {  	[smem:$0x3FB1] =	sst s5  }
0xe: {  	[smem:$0x3FB2] =	sst s6  }
0xf: {  	[smem:$0x3FB3] =	sst s7  }
0x10: {  	[smem:$0x3FB4] =	sst s8  }
0x11: {  	[smem:$0x3FB5] =	sst s9;
	s0 =	simm.s32 @!p0 $0x0  }
0x12: {  	s1 =	sld [smem:$0x3F9B];
	s0 =	simm.s32 @p0 $0x1  }
0x13: {  	[smem:$0x3FB6] =	sst s0;
	s0 =	simm.s32 @!p1 $0x0  }
0x14: {  	s2 =	sld [smem:$0x3F9A];
	s0 =	simm.s32 @p1 $0x1  }
0x15: {  	[smem:$0x3FB7] =	sst s0;
	s0 =	simm.s32 @!p2 $0x0  }
0x16: {  	s3 =	sld [smem:$0x3FDB];
	s0 =	simm.s32 @p2 $0x1  }
0x17: {  	s4 =	simm.s32 $0x1BF5;
	[smem:$0x3FB9] =	sst s0  }
0x18: {  	s0 =	sld [smem:$0x3F9C];
	_ =	swait.ge [sflag:s4], $0x0  }
0x19: {  	s7 =	sld [smem:$0x3F9D]  }
0x1a: {  	s8 =	sadd.s32 $0xFFFFE003, lr  }
0x1b: {  	s9 =	sadd.s32 $0xFFFFFEF7, lr;
	s5 =	simm.s32 $0xFFFFFFFF;
	p2 =	slt.u32 s8, $0xFFFFF086  }
0x1c: {  	p1 =	slt.u32 s9, $0xF7A;
	s5 =	simm.s32 @!p2 $0x0  }
0x1d: {  	s5 =	simm.s32 @p1 $0x1;
	p0 =	seq.s32 s7, s2  }
0x1e: {  	s7 =	smul.u32 @!p0 $0xF7A, s2;
	p2 =	seq.s32 @!p0 s5, $0x0  }
0x1f: {  	s9 =	smul.u32 $0xF7A, s1;
	s8 =	simm.s32 @!p0 $0x1BF5;
	p2 =	por !p2, p0  }
0x20: {  	[sflag:s8] =	ssyncset.s32 @!p0 $0xFFFFF086;
	s6 =	sadd.s32 @!p0 s3, s7;
	s7 =	simm.s32 @!p0 $0x108  }
0x21: {  	s3 =	sadd.s32 s3, s9;
	s6 =	sadd.s32 @!p0 $0x88, s6;
	s7 =	simm.s32 @p2 $0x1082  }
0x22: {  	[simem:s7], [sflag:s8] =	dma.local @!p0 [hbm:s6], $0xF7A  }
0x23: {  	s9 =	sor.u32 $0xD0000000, s2;
	s6 =	simm.s32 $0x108;
	_ =	swait.ge @!p0 [sflag:s8], $0x0  }
0x24: {  	s3 =	sadd.s32 $0x88, s3;
	s6 =	simm.s32 @!p1 $0x1082;
	[sflag:s4] =	ssyncset.s32 $0xFFFFF086  }
0x25: {  	[simem:s6], [sflag:s4] =	dma.local [hbm:s3], $0xF7A  }
0x26: {  	[smem:$0x3F9D] =	sst s1;
	(tag) =	ssettag s2;
	_ =	strace s9  }
0x27: {  	s1 =	sld [smem:$0x3FAD]  }
0x28: {  	s2 =	sld [smem:$0x3FAE]  }
0x29: {  	s4 =	sld [smem:$0x3FB0]  }
0x2a: {  	p0 =	seq.s32 s5, $0x0;
	s5 =	sld [smem:$0x3FB1]  }
0x2b: {  	s6 =	sld [smem:$0x3FB2]  }
0x2c: {  	s7 =	sld [smem:$0x3FB3]  }
0x2d: {  	s3 =	simm.s32 $0x108;
	s8 =	sld [smem:$0x3FB4]  }
0x2e: {  	s3 =	simm.s32 @!p0 $0x1082;
	s9 =	sld [smem:$0x3FB5]  }
0x2f: {  	lr =	sadd.s32 s0, s3;
	s0 =	sld [smem:$0x3FAC]  }
0x30: {  	s3 =	sld [smem:$0x3FAF]  }
0x31: {  	[smem:$0x3FB8] =	sst s10  }
0x32: {  	s10 =	sld [smem:$0x3FB6];
	_ =	sdelay $0x3  }
0x33: {  	p0 =	seq.s32 s10, $0x1;
	s10 =	sld [smem:$0x3FB8];
	_ =	sdelay $0x3  }
0x34: {  	[smem:$0x3FB8] =	sst s10  }
0x35: {  	s10 =	sld [smem:$0x3FB7];
	_ =	sdelay $0x3  }
0x36: {  	p1 =	seq.s32 s10, $0x1;
	s10 =	sld [smem:$0x3FB8];
	_ =	sdelay $0x3  }
0x37: {  	[smem:$0x3FB8] =	sst s10  }
0x38: {  	s10 =	sld [smem:$0x3FB9]  }
0x39: {  	_ = 	snop;
	(pc) =	sbr.ind lr, $3  }
0x3a: {  	_ = 	snop  }
0x3b: {  	_ = 	snop  }
0x3c: {  	p2 =	seq.s32 s10, $0x1;
	s10 =	sld [smem:$0x3FB8]  }
0x3d: {  	_ =	shalt  }
0x3e: {  	_ =	shalt  }
0x3f: {  	_ =	shalt  }
0x40: {  	_ =	shalt  }
0x41: {  	_ =	shalt  }
0x42: {  	_ =	shalt  }
0x43: {  	_ =	shalt  }
0x44: {  	_ =	shalt  }
0x45: {  	_ =	shalt  }
0x46: {  	_ =	shalt  }
0x47: {  	_ =	shalt  }
0x48: {  	_ =	shalt  }
0x49: {  	_ =	shalt  }
0x4a: {  	_ =	shalt  }
0x4b: {  	_ =	shalt  }
0x4c: {  	_ =	shalt  }
0x4d: {  	_ =	shalt  }
0x4e: {  	_ =	shalt  }
0x4f: {  	_ =	shalt  }
0x50: {  	_ =	shalt  }
0x51: {  	_ =	shalt  }
0x52: {  	_ =	shalt  }
0x53: {  	_ =	shalt  }
0x54: {  	_ =	shalt  }
0x55: {  	_ =	shalt  }
0x56: {  	_ =	shalt  }
0x57: {  	_ =	shalt  }
0x58: {  	_ =	shalt  }
0x59: {  	_ =	shalt  }
0x5a: {  	_ =	shalt  }
0x5b: {  	_ =	shalt  }
0x5c: {  	_ =	shalt  }
0x5d: {  	_ =	shalt  }
0x5e: {  	_ =	shalt  }
0x5f: {  	_ =	shalt  }
0x60: {  	_ =	shalt  }
0x61: {  	_ =	shalt  }
0x62: {  	_ =	shalt  }
0x63: {  	_ =	shalt  }
0x64: {  	_ =	shalt  }
0x65: {  	_ =	shalt  }
0x66: {  	_ =	shalt  }
0x67: {  	_ =	shalt  }
0x68: {  	_ =	shalt  }
0x69: {  	_ =	shalt  }
0x6a: {  	_ =	shalt  }
0x6b: {  	_ =	shalt  }
0x6c: {  	_ =	shalt  }
0x6d: {  	_ =	shalt  }
0x6e: {  	_ =	shalt  }
0x6f: {  	_ =	shalt  }
0x70: {  	_ =	shalt  }
0x71: {  	_ =	shalt  }
0x72: {  	_ =	shalt  }
0x73: {  	_ =	shalt  }
0x74: {  	_ =	shalt  }
0x75: {  	_ =	shalt  }
0x76: {  	_ =	shalt  }
0x77: {  	_ =	shalt  }
0x78: {  	_ =	shalt  }
0x79: {  	_ =	shalt  }
0x7a: {  	_ =	shalt  }
0x7b: {  	_ =	shalt  }
0x7c: {  	_ =	shalt  }
0x7d: {  	_ =	shalt  }
0x7e: {  	_ =	shalt  }
0x7f: {  	_ =	shalt  }
0x80: {  	_ =	shalt  }
0x81: {  	_ =	shalt  }
0x82: {  	_ =	shalt  }
0x83: {  	_ =	shalt  }
0x84: {  	_ =	shalt  }
0x85: {  	_ =	shalt  }
0x86: {  	_ =	shalt  }
0x87: {  	_ =	shalt  }
.Lfunc_end0:
.L_simem_size_0:
called_computation_lowered:
.L_overlay_start_0:
0x88: {  	s2 =	sld [smem:$0x3FD9]  }
0x89: {  	s3 =	sld [smem:$0x3FFE];
	_ =	sdelay $0x1  }
0x8a: {  	s1 =	srdreg.scid  }
0x8b: {  	s0 =	sand.u32 $0x1, s1  }
0x8c: {  	s18 =	sshll.u32 s0, $0xA;
	s2 =	sadd.s32 s3, s2  }
0x8d: {  	s2 =	sadd.s32 s2, s18  }
0x8e: {  	[smem:$0x3FC4] =	sst s2  }
0x8f: {  	_ = 	snop  }
0x90: {  	s2 =	sld [smem:$0x3FC9]  }
0x91: {  	s19 =	sld [smem:$0x3FC8]  }
0x92: {  	s4 =	sld [smem:$0x3FC7]  }
0x93: {  	s5 =	sld [smem:$0x3FC6]  }
0x94: {  	s6 =	sld [smem:$0x3FD0];
	(tm) =	ssettm $0x1  }
0x95: {  	s7 =	sld [smem:$0x3FFB];
	_ =	sdelay $0x3  }
0x96: {  	_ =	strace s7  }
0x97: {  	s7 =	sld [smem:$0x3FFC];
	_ =	sdelay $0x3  }
0x98: {  	_ =	strace s7  }
0x99: {  	s7 =	sld [smem:$0x3FFD];
	_ =	sdelay $0x3  }
0x9a: {  	_ =	strace s7  }
0x9b: {  	_ =	strace $0x8FFFFFFF  }
0x9c: {  	s20 =	sld [smem:$0x3FDB];
	_ =	sdelay $0x1  }
0x9d: {  	s8 =	simm.s32 $_scs_section_size  }
0x9e: {  	s9 =	simm.s32 $_size__tile_overlayer_lowered;
	s10 =	simm.s32 $_tile_overlayer_lowered  }
0x9f: {  	s23 =	simm.s32 $0x1BFF;
	s22 =	sshll.u32 s10, $0x1;
	s7 =	sadd.s32 s8, s20  }
0xa0: {  	s11 =	simm.s32 $0x0;
	s21 =	sshll.u32 s9, $0x1;
	s9 =	sadd.s32 s22, s7  }
0xa1: {  	[timem:s11], [sflag:s23] =	dma.local [hbm:s9], s21  }
0xa2: {  	_ =	swait.ge [sflag:s23], s21  }
0xa3: {  	s8 =	ssub.s32 $0x0, s21;
	[sflag:s23] =	ssyncset.done $0x0  }
0xa4: {  	[sflag:s23] =	ssyncadd.s32 s8;
	_ =	sdelay $0x1  }
0xa5: {  	s24 =	simm.s32 $0x1B8B  }
0xa6: {  	_ =	swait.ge [sflag:s24], $0x1  }
0xa7: {  	[sflag:s24] =	ssyncset.done $0x0  }
0xa8: {  	s25 =	simm.s32 $0x1B8E;
	[sflag:s24] =	ssyncadd.s32 $0xFFFFFFFF  }
0xa9: {  	s26 =	simm.s32 $execute0_lowered;
	[smem:$0x3FD2] =	sst s25  }
0xaa: {  	s8 =	sshll.u32 s26, $0x1;
	_ =	strace $0x80000046;
	[dreg:$0x1] =	wrdreg $0xFFFFFFFF  }
0xab: {  	s28 =	simm.s32 $_size_execute0_lowered;
	s7 =	sadd.s32 s7, s8;
	[dreg:$0x0] =	wrdreg $0x0  }
0xac: {  	s8 =	sshll.u32 s28, $0x1;
	[dreg:$0x2] =	wrdreg s7  }
0xad: {  	[dreg:$0x3] =	wrdreg s8  }
0xae: {  	[dreg:$0x4] =	wrdreg $0xC0  }
0xaf: {  	_ =	task [dreg:s11], $0x5FFFF  }
0xb0: {  	[dreg:$0x1] =	wrdreg $0xFFFFFFFF  }
0xb1: {  	[dreg:$0x0] =	wrdreg $0x60  }
0xb2: {  	[dreg:$0x2] =	wrdreg s2  }
0xb3: {  	[dreg:$0x3] =	wrdreg s19  }
0xb4: {  	[dreg:$0x4] =	wrdreg s4  }
0xb5: {  	[dreg:$0x5] =	wrdreg s5  }
0xb6: {  	[dreg:$0x6] =	wrdreg s6  }
0xb7: {  	[dreg:$0x7] =	wrdreg $0x9  }
0xb8: {  	_ =	task.clear_ibuf [dreg:s11], $0x8FFFF;
	_ =	strace $0x90000046  }
0xb9: {  	s29 =	simm.s32 $0x9;
	_ =	strace $0x80000048  }
0xba: {  	_ =	swait.ge [sflag:s29], $0x1  }
0xbb: {  	[sflag:s29] =	ssyncadd.s32 $0xFFFFFFFF  }
0xbc: {  	_ =	strace $0x90000048  }
0xbd: {  	_ =	sfence  }
0xbe: {  	s30 =	sld [smem:$0x0];
	_ =	sdelay $0x2  }
0xbf: {  	s31 =	sshll.u32 s1, $0xD;
	s1 =	sshrl.u32 s1, $0x2  }
0xc0: {  	s3 =	sand.u32 $0x4000, s31;
	s1 =	sadd.s32 s1, s30  }
0xc1: {  	s0 =	sor.u32 s3, s0;
	s1 =	sshll.u32 s1, $0x11  }
0xc2: {  	s0 =	sor.u32 s1, s0  }
0xc3: {  	s0 =	sadd.s32 $0x8F2B, s0  }
0xc4: {  	[sflag:s0] =	ssyncadd.remote.s32 $0x1  }
0xc5: {  	_ =	sfence.sel $0xFFFF  }
0xc6: {  	[dreg:$0x0] =	wrdreg $0xFFFFFFFF;
	(pc) =	sbr.abs _section_cstart, $3  }
0xc7: {  	[dreg:$0x1] =	wrdreg $0xFFFFFFFF  }
0xc8: {  	_ =	task.clear_ibuf [dreg:s11], $0x2FFFF;
	_ =	strace $0x9FFFFFFF  }
0xc9: {  	(tm) =	ssettm $0x7FFFFFFF  }
tec
execute0_lowered:
.L_overlay_start_1:
0x0: {  	(tag) =	ssettag $0x1  }
0x1: {  	s0 =	rddreg [dreg:$0x0]  }
0x2: {  	s5 =	rddreg [dreg:$0x1]  }
0x3: {  	s9 =	rddreg [dreg:$0x2]  }
0x4: {  	s6 =	rddreg [dreg:$0x3];
	s1 =	srdreg.scid  }
0x5: {  	s21 =	stileid.u32;
	s10 =	rddreg [dreg:$0x4];
	s15 =	simm.s32 $0x80  }
0x6: {  	s16 =	simm.s32 $0x400;
	s17 =	simm.s32 $0x7;
	s18 =	simm.s32 $0x10800  }
0x7: {  	s19 =	simm.s32 $0x200;
	s20 =	simm.s32 $0x600;
	s22 =	simm.s32 $0x6  }
0x8: {  	s23 =	simm.s32 $0x11000;
	s24 =	simm.s32 $0x0;
	s2 =	sand.u32 $0x1, s1  }
0x9: {  	s28 =	sshll.u32 s21, $0x1;
	s1 =	simm.s32 $0x0;
	s8 =	sshll.u32 s21, $0x7  }
0xa: {  	s11 =	sshll.u32 s21, $0x5;
	p0 =	sne.s32 s21, $0x0;
	s21 =	simm.s32 $0x5  }
0xb: {  	s7 =	sor.u32 s2, s28;
	s3 =	ssub.s32 $0x2, s2;
	[smem:$0x7FF] =	sst s1  }
0xc: {  	s11 =	sor.u32 s11, s8;
	s29 =	sshll.u32 s7, $0xF;
	s4 =	sshrl.u32 s3, $0x1  }
0xd: {  	_ =	strace $0x80000047;
	s12 =	sshll.u32 s7, $0x4;
	s13 =	sshll.u32 s7, $0x8  }
0xe: {  	s31 =	sand.u32 $0x660, s11;
	s2 =	sadd.s32 s0, s29;
	s30 =	ssub.s32 s3, s4  }
0xf: {  	s8 =	sor.u32 s8, s12;
	s6 =	sadd.s32 s6, s13;
	s7 =	sadd.s32 s9, s31  }
0x10: {  	s10 =	sadd.s32 s10, s13;
	s3 =	sadd.s32 $0x800, s2;
	s4 =	sadd.s32 $0x1000, s2  }
0x11: {  	s12 =	sand.u32 $0x670, s8;
	s8 =	sadd.s32 $0x10, s7;
	s11 =	smax.u32 s30, $0x1  }
0x12: {  	v0 =	vlaneseq.u32;
	s5 =	sadd.s32 s5, s12;
	s9 =	sadd.s32 s9, s12;
	s12 =	simm.s32 $0x800  }
.LBB2_1:
0x13: {  	[tilespmem:s12], [sflag:$0x1] =	stream.linear.gather [hbm4b:s2+s1], $0x4000, $0x38;
	[tilespmem:$0x12000] =	vst v63  }
0x14: {  	s0 =	simm.s32 $0x4800  }
0x15: {  	[tilespmem:s0], [sflag:$0x2] =	stream.linear.gather [hbm4b:s3+s1], $0x4000, $0x38;
	[tilespmem:$0x12000] =	vst v63  }
0x16: {  	s30 =	simm.s32 $0x8800  }
0x17: {  	[tilespmem:s30], [sflag:$0x3] =	stream.linear.gather [hbm4b:s4+s1], $0x4000, $0x38;
	[tilespmem:$0x12000] =	vst v63  }
0x18: {  	_ = 	snop  }
0x19: {  	[tilespmem:s1], [sflag:$0x7] =	stream.strided.gather [hbm4b:s5+s15], $0x200, s16, s15, $0x38;
	[tilespmem:$0x12000] =	vst v63  }
0x1a: {  	_ =	swait.ge [sflag:s17], $0x200  }
0x1b: {  	[sflag:s17] =	ssyncset.done $0x0  }
0x1c: {  	[sflag:s17] =	ssyncadd.s32 $0xFFFFFE00  }
0x1d: {  	[tilespmem:s18], [sflag:$0x7] =	stream.linear.gather [hbm4b:s6+s1], $0x800, $0x38;
	[tilespmem:$0x12000] =	vst v63  }
0x1e: {  	_ =	swait.ge [sflag:s17], $0x800  }
0x1f: {  	[sflag:s17] =	ssyncset.done $0x0  }
0x20: {  	[sflag:s17] =	ssyncadd.s32 $0xFFFFF800  }
0x21: {  	[tilespmem:s19], [sflag:$0x7] =	stream.strided.gather [hbm4b:s7+s15], $0x200, s16, s15, $0x38;
	[tilespmem:$0x12000] =	vst v63  }
0x22: {  	_ =	swait.ge [sflag:s17], $0x200  }
0x23: {  	[sflag:s17] =	ssyncset.done $0x0  }
0x24: {  	[sflag:s17] =	ssyncadd.s32 $0xFFFFFE00  }
0x25: {  	[tilespmem:s16], [sflag:$0x7] =	stream.strided.gather [hbm4b:s8+s15], $0x200, s16, s15, $0x38;
	[tilespmem:$0x12000] =	vst v63  }
0x26: {  	v1 =	vor.u32 s1, v0;
	_ =	swait.ge [sflag:s17], $0x200  }
0x27: {  	vm0 =	vlt.s32 v1, $0x1F3;
	[sflag:s17] =	ssyncset.done $0x0  }
0x28: {  	v5 =	vnsel vm0, $0x1F3, v1;
	[sflag:s17] =	ssyncadd.s32 $0xFFFFFE00  }
0x29: {  	[tilespmem:s20], [sflag:$0x7] =	stream.strided.gather [hbm4b:s9+s15], $0x200, s16, s15, $0x38;
	[tilespmem:$0x12000] =	vst v63  }
0x2a: {  	s31 =	simm.s32 $0x10;
	_ =	swait.ge [sflag:s17], $0x200  }
0x2b: {  	v2 =	vor.u32 s31, v0;
	[sflag:s17] =	ssyncset.done $0x0  }
0x2c: {  	vm15 =	vlt.s32 v2, $0x1F3;
	[sflag:s17] =	ssyncadd.s32 $0xFFFFFE00  }
0x2d: {  	v6 =	vnsel vm15, $0x1F3, v2;
	v4 =	vld.idx.msk [tilespmem:v5+s19+$0x0], $0xffff  }
0x2e: {  	v5 =	vld.idx.msk [tilespmem:v5+s16+$0x0], $0xffff  }
0x2f: {  	v3 =	vimm.s32 $0x0;
	s25 =	simm.s32 $0x20  }
.LBB2_2:
0x30: {  	p1 =	sne.s32 s25, $0x1F0  }
.Ltmp0:
0x31: {  	v7 =	vor.u32 s25, v0;
	(pc) =	sbr.rel @p1 .LBB2_2-.Ltmp0, $4  }
0x32: {  	s25 =	sadd.s32 $0x10, s25;
	vm0 =	vlt.s32 v7, $0x1F3;
	v8 =	vmov v4;
	v4 =	vld.idx.msk [tilespmem:v6+s19+$0x0], $0xffff  }
0x33: {  	vm1 =	vlt.u32 v1, $0x1F4;
	v1 =	vmovc v2;
	v2 =	vmovc v7;
	v8 =	vadd.s32 v8, v5;
	v5 =	vld.idx.msk [tilespmem:v6+s16+$0x0], $0xffff;
	v6 =	vnsel vm0, $0x1F3, v7  }
0x34: {  	v7 =	vnsel vm1, $0x0, v8  }
0x35: {  	v3 =	vadd.s32 v3, v7  }
0x36: {  	_ =	sdelay $0x3  }
0x37: {  	v7 =	vld.idx.msk [tilespmem:v6+s19+$0x0], $0xffff  }
0x38: {  	v6 =	vld.idx.msk [tilespmem:v6+s16+$0x0], $0xffff;
	_ =	sdelay $0x3  }
0x39: {  	vm0 =	vlt.u32 v1, $0x1F4;
	v1 =	vadd.s32 v4, v5  }
0x3a: {  	vm13 =	vlt.u32 v2, $0x1F4;
	v1 =	vnsel vm0, $0x0, v1;
	v2 =	vadd.s32 v7, v6  }
0x3b: {  	v1 =	vadd.s32 v3, v1;
	v2 =	vnsel vm13, $0x0, v2  }
0x3c: {  	v1 =	vadd.s32 v1, v2  }
0x3d: {  	(xrf0) =	vadd.scan.msk.s32 $0xffff, v1;
	_ =	sdelay $0x5  }
0x3e: {  	v1, _, _ =	vpop (xrf0)  }
0x3f: {  	(v2sf) =	vpush v1, $0xF;
	_ =	sdelay $0xd  }
0x40: {  	s0 =	simm.s32 @!p0 $0x0  }
0x41: {  	[smem:$0x0] =	sst @!p0 s0;
	s26 =	spop (v2sf)  }
0x42: {  	[bflag:$0x0] =	sbarrier.arrive $0xFFFF  }
0x43: {  	s25 =	simm.s32 $0x0;
	[sflag:s21] =	ssyncset.done $0x0  }
0x44: {  	[smem:s25], [sflag:$0x5] =	smem.add.s32 s26  }
0x45: {  	_ =	swait.done [sflag:s21]  }
0x46: {  	[sflag:s21] =	ssyncset.s32 $0x0  }
0x47: {  	[sflag:s21] =	ssyncset.done $0x0  }
0x48: {  	[bflag:$0x0] =	sbarrier.arrive $0xFFFF  }
0x49: {  	[sflag:s22] =	ssyncset.done $0x0  }
0x4a: {  	[smem:s25], [sflag:$0x6] =	smem.add.s32 $0x0  }
0x4b: {  	_ =	swait.done [sflag:s22]  }
0x4c: {  	s13 =	ssyncread [sflag:$0x6];
	_ =	sdelay $0x2  }
0x4d: {  	v1 =	vmov s13  }
0x4e: {  	v1 =	vcvt.s32.f32 v1;
	_ =	sdelay $0x1  }
0x4f: {  	v1 =	vmul.f32 $4.000000000e+00, v1  }
0x50: {  	v2 =	vor.u32 s25, v0  }
0x51: {  	vm14 =	vlt.s32 v2, $0x1F3;
	v1 =	vadd.f32 $9.999999740e-05, v1  }
0x52: {  	v2 =	vnsel vm14, $0x1F3, v2  }
0x53: {  	v1 =	vbroadcast v1, $0x0;
	_ =	sdelay $0x1  }
0x54: {  	[sflag:s22] =	ssyncset.s32 $0x0;
	(erf) = vrcp.f32 v1  }
0x55: {  	[sflag:s22] =	ssyncset.done $0x0  }
0x56: {  	v1 =	vld.idx.msk [tilespmem:v2+s25+$0x0], $0xffff  }
0x57: {  	v3 =	vld.idx.msk [tilespmem:v2+s20+$0x0], $0xffff;
	_ =	sdelay $0x2  }
0x58: {  	s14 =	simm.s32 $0x10  }
0x59: {  	v4 =	vor.u32 s14, v0;
	s26 =	simm.s32 $0x11800;
	v5 =	vshrl.u32 v1, $0x8  }
0x5a: {  	s28 =	simm.s32 $0x11A00;
	vm15 =	vlt.s32 v4, $0x1F3;
	v6 =	vcvt.s32.f32 v3;
	[tilespmem:s26+$0x0] =	vst v5;
	v5 =	vand.u32 $0xFF, v1  }
0x5b: {  	s29 =	simm.s32 $0x11C00;
	s31 =	simm.s32 $0x11E00;
	v3 =	vnsel vm15, $0x1F3, v4;
	[tilespmem:s28+$0x0] =	vst v5;
	v1 =	vpop (erf)  }
0x5c: {  	s30 =	simm.s32 $0x11C10;
	s0 =	simm.s32 $0x20;
	[tilespmem:s29+$0x0] =	vst v2;
	s29 =	simm.s32 $0x11E10;
	v2 =	vmov v3;
	v4 =	vmul.f32 v6, v1  }
.LBB2_4:
0x5d: {  	s26 =	sadd.s32 $0x10, s26  }
0x5e: {  	s28 =	sadd.s32 $0x10, s28;
	s13 =	smov.u32 s0;
	s14 =	sadd.s32 $0x10, s0  }
0x5f: {  	p1 =	sne.s32 s0, $0x1F0;
	[tilespmem:s31+$0x0] =	vst v4;
	s31 =	smov.u32 s29  }
0x60: {  	v4 =	vld.idx.msk [tilespmem:v3+s25+$0x0], $0xffff  }
0x61: {  	v5 =	vld.idx.msk [tilespmem:v3+s20+$0x0], $0xffff;
	_ =	sdelay $0x3  }
.Ltmp1:
0x62: {  	v3 =	vor.u32 s13, v0;
	(pc) =	sbr.rel @p1 .LBB2_4-.Ltmp1, $4  }
0x63: {  	vm0 =	vlt.s32 v3, $0x1F3;
	v6 =	vshrl.u32 v4, $0x8  }
0x64: {  	v3 =	vnsel vm0, $0x1F3, v3;
	v4 =	vand.u32 $0xFF, v4;
	v5 =	vcvt.s32.f32 v5;
	[tilespmem:s26+$0x0] =	vst v6  }
0x65: {  	[tilespmem:s28+$0x0] =	vst v4  }
0x66: {  	s29 =	sadd.s32 $0x10, s29;
	s0 =	smov.u32 s14;
	v4 =	vmul.f32 v5, v1;
	[tilespmem:s30+$0x0] =	vst v2;
	s30 =	sadd.s32 $0x10, s30;
	v2 =	vmov v3  }
0x67: {  	_ =	sdelay $0x2  }
0x68: {  	[tilespmem:s31+$0x0] =	vst v4  }
0x69: {  	v4 =	vld.idx.msk [tilespmem:v3+s25+$0x0], $0xffff  }
0x6a: {  	v3 =	vld.idx.msk [tilespmem:v3+s20+$0x0], $0xffff;
	_ =	sdelay $0x4  }
0x6b: {  	s0 =	sadd.s32 $0x10, s26;
	v5 =	vshrl.u32 v4, $0x8;
	v3 =	vcvt.s32.f32 v3  }
0x6c: {  	s13 =	sadd.s32 $0x10, s28;
	v4 =	vand.u32 $0xFF, v4;
	[tilespmem:s0+$0x0] =	vst v5  }
0x6d: {  	[tilespmem:s13+$0x0] =	vst v4;
	v1 =	vmul.f32 v3, v1  }
0x6e: {  	[tilespmem:s30+$0x0] =	vst v2  }
0x6f: {  	[tilespmem:s29+$0x0] =	vst v1  }
.LBB2_6:
0x70: {  	s0 =	sand.u32 $0x3, s25  }
0x71: {  	p1 =	sgt.u32 s25, $0xC;
	s13 =	sadd.s32 $0x1, s0  }
0x72: {  	s14 =	sshrl.u32 s25, $0x2;
	s26 =	sadd.s32 @!p1 $0x3, s25;
	_ =	swait.ge [sflag:s13], $0x4000  }
0x73: {  	s28 =	sshll.u32 @!p1 s26, $0xB;
	s26 =	sand.u32 @!p1 $0x3, s26;
	[sflag:s13] =	ssyncset.done $0x0  }
0x74: {  	s29 =	sshll.u32 @!p1 s26, $0xB;
	[sflag:s13] =	ssyncadd.s32 $0xFFFFC000;
	s13 =	sand.u32 @!p1 $0xE000, s28  }
0x75: {  	s28 =	sshll.u32 @!p1 s26, $0xE;
	s26 =	sadd.s32 @!p1 $0x1, s26;
	s13 =	sadd.s32 @!p1 s13, s2  }
0x76: {  	v1 =	vmov s14;
	s28 =	sor.u32 @!p1 $0x800, s28;
	s13 =	sadd.s32 @!p1 s29, s13;
	s29 =	simm.s32 @!p1 $0x0  }
0x77: {  	v1 =	vshll.u32 v1, $0x7;
	[tilespmem:s28], [sflag:s26] =	stream.linear.gather @!p1 [hbm4b:s13+s29], $0x4000, $0x38;
	[tilespmem:$0x12000] =	vst v63  }
0x78: {  	s31 =	sshll.u32 s0, $0x6;
	s0 =	sshll.u32 s0, $0xE;
	v2 =	vand.u32 $0x180, v1;
	s26 =	simm.s32 $0x0  }
0x79: {  	v3 =	vmov s0;
	v1 =	vmov s31;
	v2 =	vbroadcast v2, $0x0;
	s28 =	simm.s32 $0x40;
	v4 =	vld [tilespmem:s26+$0x11A00]  }
.LBB2_7:
0x7a: {  	p1 =	sne.s32 s28, $0x7C0;
	v5 =	vld [tilespmem:s26+$0x11800]  }
0x7b: {  	v6 =	vld [tilespmem:s26+$0x11C00];
	_ =	sdelay $0x3  }
0x7c: {  	v7 =	vand.u32 $0x7F, v4;
	v4 =	vshll.u32 v4, $0x3;
	v8 =	vshll.u32 v5, $0x8  }
0x7d: {  	v9 =	vshll.u32 v5, $0x7;
	v8 =	vand.u32 $0x3800, v8;
	v10 =	vand.u32 $0x7F, v6  }
0x7e: {  	v9 =	vand.u32 $0x380, v9;
	v6 =	vshll.u32 v6, $0x2;
	v8 =	vor.u32 v3, v8  }
0x7f: {  	v6 =	vand.u32 $0xFFFFFE00, v6;
	v8 =	vor.u32 v9, v8;
	v9 =	vor.u32 v2, v10  }
0x80: {  	v4 =	vand.u32 $0xFFFFFC00, v4;
	v7 =	vor.u32 v7, v8;
	v6 =	vor.u32 v6, v9  }
0x81: {  	v4 =	vadd.s32 v4, v7;
	_ =	sdelay $0x3  }
0x82: {  	v7 =	vld.idx.msk [tilespmem:v6+s18+$0x0], $0xffff  }
0x83: {  	v4 =	vld.idx.msk [tilespmem:v4+s12+$0x0], $0xffff;
	_ =	sdelay $0x3  }
0x84: {  	v5 =	vsub.s32 v5, v1;
	v8 =	vld [tilespmem:s26+$0x11E00]  }
0x85: {  	vm0 =	vlt.u32 v5, $0x40  }
0x86: {  	v4 =	vsub.f32 v4, v7;
	_ =	sdelay $0x1  }
.Ltmp2:
0x87: {  	v4 =	vand.u32 $0x7FFFFFFF, v4;
	(pc) =	sbr.rel @p1 .LBB2_7-.Ltmp2, $3  }
0x88: {  	v4 =	vmul.f32 v4, v8;
	_ =	sdelay $0x1  }
0x89: {  	s26 =	sshra.s32 s28, $0x2;
	[tilespmem:v6+s23+$0x0] =	vst.idx.msk vm0, v4  }
0x8a: {  	s28 =	sadd.s32 $0x40, s28;
	v4 =	vld [tilespmem:s26+$0x11A00]  }
0x8b: {  	v5 =	vld [tilespmem:s26+$0x11800]  }
0x8c: {  	v6 =	vld [tilespmem:s26+$0x11C00];
	_ =	sdelay $0x3  }
0x8d: {  	v7 =	vand.u32 $0x7F, v4;
	v60 =	vshll.u32 v4, $0x3;
	v8 =	vshll.u32 v5, $0x8  }
0x8e: {  	v9 =	vshll.u32 v5, $0x7;
	v10 =	vand.u32 $0x7F, v6;
	v8 =	vand.u32 $0x3800, v8  }
0x8f: {  	v6 =	vshll.u32 v6, $0x2;
	v61 =	vand.u32 $0x380, v9;
	v3 =	vor.u32 v3, v8  }
0x90: {  	v6 =	vand.u32 $0xFFFFFE00, v6;
	v2 =	vor.u32 v2, v10;
	v3 =	vor.u32 v61, v3  }
0x91: {  	v4 =	vand.u32 $0xFFFFFC00, v60;
	v2 =	vor.u32 v6, v2;
	v3 =	vor.u32 v7, v3  }
0x92: {  	v3 =	vadd.s32 v4, v3;
	_ =	sdelay $0x3  }
0x93: {  	v62 =	vld.idx.msk [tilespmem:v2+s18+$0x0], $0xffff  }
0x94: {  	v3 =	vld.idx.msk [tilespmem:v3+s12+$0x0], $0xffff;
	_ =	sdelay $0x2  }
0x95: {  	v63 =	vld [tilespmem:s26+$0x11E00];
	v1 =	vsub.s32 v5, v1  }
0x96: {  	s25 =	sadd.s32 $0x1, s25;
	vm0 =	vlt.u32 v1, $0x40  }
0x97: {  	p1 =	sne.s32 s25, $0x10;
	v1 =	vsub.f32 v3, v62  }
.Ltmp3:
0x98: {  	_ = 	snop;
	(pc) =	sbr.rel @p1 .LBB2_6-.Ltmp3, $3  }
0x99: {  	v1 =	vand.u32 $0x7FFFFFFF, v1  }
0x9a: {  	v1 =	vmul.f32 v1, v63;
	_ =	sdelay $0x1  }
0x9b: {  	[tilespmem:v2+s23+$0x0] =	vst.idx.msk vm0, v1  }
0x9c: {  	s24 =	sadd.s32 $0x1, s24  }
0x9d: {  	p1 =	sne.s32 s24, s11  }
.Ltmp4:
0x9e: {  	_ = 	snop;
	(pc) =	sbr.rel @p1 .LBB2_1-.Ltmp4, $4  }
0x9f: {  	[hbm4b:s10+s1] =	stream.linear.scatter [tilespmem:s23], [sflag:$0x7], $0x800, $0x38;
	[tilespmem:$0x12000] =	vst v63  }
0xa0: {  	_ =	swait.ge [sflag:s17], $0x800  }
0xa1: {  	[sflag:s17] =	ssyncset.done $0x0  }
0xa2: {  	[sflag:s17] =	ssyncadd.s32 $0xFFFFF800  }
0xa3: {  	_ =	sfence.sel $0x180000  }
0xa4: {  	[bflag:$0x0] =	sbarrier.arrive $0xFFFF  }
0xa5: {  	_ =	strace $0x90000047  }
0xa6: {  	[bflag:$0x2] =	sbarrier.arrive $0xFFFF  }
0xa7: {  	s0 =	rddreg [dreg:$0x5]  }
0xa8: {  	s0 =	sadd.s32 @!p0 $0x100000, s0  }
0xa9: {  	[sflag:s0] =	ssyncadd.tile.s32 @!p0 $0x1;
	_ =	shalt  }
.Lfunc_end2:
_tile_overlayer_lowered:
.L_overlay_start_2:
0xaa: {  	(tag) =	ssettag $0x2  }
0xab: {  	s0 =	rddreg [dreg:$0x0];
	s2 =	stileid.u32  }
0xac: {  	s1 =	rddreg [dreg:$0x1];
	p0 =	sne.s32 s2, $0x0  }
0xad: {  	s3 =	rddreg [dreg:$0x2];
	[bflag:$0x3] =	sbarrier.arrive $0xFFFF;
	s2 =	simm.s32 @!p0 $0x1C05  }
0xae: {  	[timem:s3], [sflag:s2] =	dma.local @!p0 [hbm:s0], s1  }
0xaf: {  	s0 =	simm.s32 @!p0 $0x5  }
0xb0: {  	_ =	swait.ge @!p0 [sflag:s0], s1  }
0xb1: {  	s1 =	ssub.s32 @!p0 $0x0, s1;
	[sflag:s0] =	ssyncset.done @!p0 $0x0  }
0xb2: {  	[sflag:s0] =	ssyncadd.s32 @!p0 s1  }
0xb3: {  	[bflag:$0x3] =	sbarrier.arrive $0xFFFF  }
0xb4: {  	_ =	shalt  }

</sc_bundles>
